<compile_context>
chip_gen: v7x
topology: tpu7x:2x2x1
jax: 0.10.2.dev20260603
libtpu: 0.0.44.dev20260713+nightly
codegen_flags: <defaults>
</compile_context>

<pallas_src>
import functools

import jax
import jax.numpy as jnp
from jax import lax
from jax.experimental import pallas as pl
from jax.experimental.pallas import tpu as pltpu
from jax.experimental.pallas import tpu_sc as plsc

NC = 2
NS = 16
NW = NC * NS
CHUNK = 128

@functools.lru_cache(maxsize=None)
def _sc_mesh():
    return plsc.VectorSubcoreMesh(core_axis_name="c", subcore_axis_name="s")


@functools.lru_cache(maxsize=None)
def _build_sc_degrees(cpw, n_pad):
    @functools.partial(
        pl.kernel,
        out_type=(jax.ShapeDtypeStruct((NW, n_pad), jnp.float32),
                  jax.ShapeDtypeStruct((NW, n_pad), jnp.float32)),
        mesh=_sc_mesh(),
        scratch_types=[
            pltpu.VMEM((cpw, CHUNK), jnp.int32),
            pltpu.VMEM((cpw, CHUNK), jnp.int32),
            pltpu.VMEM((n_pad,), jnp.float32),
            pltpu.VMEM((n_pad,), jnp.float32),
        ],
        compiler_params=pltpu.CompilerParams(needs_layout_passes=False),
    )
    def deg_kernel(src_hbm, dst_hbm, hs_out, hd_out, src_v, dst_v, hs_v, hd_v):
        cid = lax.axis_index("c")
        sid = lax.axis_index("s")
        wid = sid * NC + cid
        pltpu.sync_copy(src_hbm.at[wid], src_v)
        pltpu.sync_copy(dst_hbm.at[wid], dst_v)
        zeros16 = jnp.zeros((16,), jnp.float32)

        def zero_body(r, carry):
            hs_v[pl.ds(r * 16, 16)] = zeros16
            hd_v[pl.ds(r * 16, 16)] = zeros16
            return carry

        lax.fori_loop(0, n_pad // 16, zero_body, 0)
        ones16 = jnp.ones((16,), jnp.float32)

        def body(g, carry):
            j = g // 8
            k = g % 8
            s_idx = src_v[j, pl.ds(k * 16, 16)]
            d_idx = dst_v[j, pl.ds(k * 16, 16)]
            plsc.addupdate_scatter(hs_v, [s_idx], ones16)
            plsc.addupdate_scatter(hd_v, [d_idx], ones16)
            return carry

        lax.fori_loop(0, cpw * 8, body, 0)
        pltpu.sync_copy(hs_v, hs_out.at[wid])
        pltpu.sync_copy(hd_v, hd_out.at[wid])

    return deg_kernel


@functools.lru_cache(maxsize=None)
def _build_sc_spmm(cpw, n_pad, d):
    rows_per_tile = n_pad // NS

    @functools.partial(
        pl.kernel,
        out_type=jax.ShapeDtypeStruct((NC, n_pad, d), jnp.float32),
        mesh=_sc_mesh(),
        scratch_types=[
            pltpu.VMEM((cpw, CHUNK), jnp.int32),
            pltpu.VMEM((cpw, CHUNK), jnp.int32),
            pltpu.VMEM((CHUNK, d), jnp.float32),
            pltpu.VMEM_SHARED((n_pad, d), jnp.float32),
            pltpu.SemaphoreType.DMA,
        ],
    )
    def spmm_kernel(hn_hbm, src_hbm, dst_hbm, zeros_hbm, out_hbm,
                    src_v, dst_v, rows_v, acc_sh, sem):
        cid = lax.axis_index("c")
        sid = lax.axis_index("s")
        wid = sid * NC + cid
        pltpu.sync_copy(src_hbm.at[wid], src_v)
        pltpu.sync_copy(dst_hbm.at[wid], dst_v)
        r0 = pl.multiple_of(sid * rows_per_tile, 8)
        pltpu.sync_copy(zeros_hbm.at[pl.ds(r0, rows_per_tile)],
                        acc_sh.at[pl.ds(r0, rows_per_tile)])
        plsc.subcore_barrier()

        def body(j, carry):
            pltpu.async_copy(hn_hbm.at[src_v.at[j]], rows_v, sem).wait()
            pltpu.sync_copy(rows_v, acc_sh.at[dst_v.at[j]], add=True)
            return carry

        lax.fori_loop(0, cpw, body, 0)
        plsc.subcore_barrier()
        pltpu.sync_copy(acc_sh.at[pl.ds(r0, rows_per_tile)],
                        out_hbm.at[cid, pl.ds(r0, rows_per_tile)])

    return spmm_kernel


@functools.lru_cache(maxsize=None)
def _build_tc_norms(n_pad):
    def body(hs_ref, hd_ref, ns_ref, nd_ref):
        deg_s = jnp.sum(hs_ref[...], axis=0, keepdims=True)
        deg_d = jnp.sum(hd_ref[...], axis=0, keepdims=True)
        ns_ref[...] = lax.rsqrt(jnp.maximum(deg_s, 1.0))
        nd_ref[...] = lax.rsqrt(jnp.maximum(deg_d, 1.0))

    return pl.pallas_call(
        body,
        out_shape=(jax.ShapeDtypeStruct((1, n_pad), jnp.float32),
                   jax.ShapeDtypeStruct((1, n_pad), jnp.float32)),
    )


@functools.lru_cache(maxsize=None)
def _build_tc_in(n_pad, n_real, d):
    BR = 1024
    grid = n_pad // BR

    def body(x_ref, w_ref, b_ref, ns_ref, o_ref):
        i = pl.program_id(0)
        h = jnp.dot(x_ref[...], w_ref[...],
                    preferred_element_type=jnp.float32, precision=lax.Precision.HIGHEST) + b_ref[...]
        h = h * lax.logistic(h)
        h = h * ns_ref[...]
        rows = i * BR + lax.broadcasted_iota(jnp.int32, (BR, 1), 0)
        o_ref[...] = jnp.where(rows < n_real, h, 0.0)

    return pl.pallas_call(
        body,
        grid=(grid,),
        in_specs=[
            pl.BlockSpec((BR, d), lambda i: (i, 0)),
            pl.BlockSpec((d, d), lambda i: (0, 0)),
            pl.BlockSpec((1, d), lambda i: (0, 0)),
            pl.BlockSpec((BR, 1), lambda i: (i, 0)),
        ],
        out_specs=pl.BlockSpec((BR, d), lambda i: (i, 0)),
        out_shape=jax.ShapeDtypeStruct((n_pad, d), jnp.float32),
    )


@functools.lru_cache(maxsize=None)
def _build_tc_mid(n_pad, n_real, d):
    BR = 1024
    grid = n_pad // BR

    def body(p_ref, nd_ref, w_ref, b_ref, ns_ref, o_ref):
        i = pl.program_id(0)
        m = (p_ref[0] + p_ref[1]) * nd_ref[...]
        h = jnp.dot(m, w_ref[...],
                    preferred_element_type=jnp.float32, precision=lax.Precision.HIGHEST) + b_ref[...]
        h = h * lax.logistic(h)
        h = h * ns_ref[...]
        rows = i * BR + lax.broadcasted_iota(jnp.int32, (BR, 1), 0)
        o_ref[...] = jnp.where(rows < n_real, h, 0.0)

    return pl.pallas_call(
        body,
        grid=(grid,),
        in_specs=[
            pl.BlockSpec((2, BR, d), lambda i: (0, i, 0)),
            pl.BlockSpec((BR, 1), lambda i: (i, 0)),
            pl.BlockSpec((d, d), lambda i: (0, 0)),
            pl.BlockSpec((1, d), lambda i: (0, 0)),
            pl.BlockSpec((BR, 1), lambda i: (i, 0)),
        ],
        out_specs=pl.BlockSpec((BR, d), lambda i: (i, 0)),
        out_shape=jax.ShapeDtypeStruct((n_pad, d), jnp.float32),
    )


@functools.lru_cache(maxsize=None)
def _build_tc_fin(n_pad, n_real, d, d_out):
    BR = 1024
    grid = n_pad // BR

    def body(p_ref, nd_ref, wg_ref, bg_ref, weo_ref, beo_ref, wff_ref,
             bff_ref, o_ref, acc_ref):
        i = pl.program_id(0)
        m = (p_ref[0] + p_ref[1]) * nd_ref[...]
        h = jnp.dot(m, wg_ref[...],
                    preferred_element_type=jnp.float32, precision=lax.Precision.HIGHEST) + bg_ref[...]
        h = h * lax.logistic(h)
        rows = i * BR + lax.broadcasted_iota(jnp.int32, (BR, 1), 0)
        h = jnp.where(rows < n_real, h, 0.0)
        csum = jnp.sum(h, axis=0, keepdims=True)

        @pl.when(i == 0)
        def _():
            acc_ref[...] = csum

        @pl.when(i > 0)
        def _():
            acc_ref[...] = acc_ref[...] + csum

        @pl.when(i == grid - 1)
        def _():
            pooled = jnp.dot(acc_ref[...], weo_ref[...],
                             preferred_element_type=jnp.float32, precision=lax.Precision.HIGHEST)
            pooled = pooled + jnp.float32(n_real) * beo_ref[...]
            o_ref[...] = jnp.dot(pooled, wff_ref[...],
                                 preferred_element_type=jnp.float32, precision=lax.Precision.HIGHEST) + bff_ref[...]

    return pl.pallas_call(
        body,
        grid=(grid,),
        in_specs=[
            pl.BlockSpec((2, BR, d), lambda i: (0, i, 0)),
            pl.BlockSpec((BR, 1), lambda i: (i, 0)),
            pl.BlockSpec((d, d), lambda i: (0, 0)),
            pl.BlockSpec((1, d), lambda i: (0, 0)),
            pl.BlockSpec((d, d), lambda i: (0, 0)),
            pl.BlockSpec((1, d), lambda i: (0, 0)),
            pl.BlockSpec((d, d_out), lambda i: (0, 0)),
            pl.BlockSpec((1, d_out), lambda i: (0, 0)),
        ],
        out_specs=pl.BlockSpec((1, d_out), lambda i: (0, 0)),
        out_shape=jax.ShapeDtypeStruct((1, d_out), jnp.float32),
        scratch_shapes=[pltpu.VMEM((1, d), jnp.float32)],
    )


def kernel(x, edge_index, W_in, b_in, W_g0, b_g0, W_g1, b_g1, W_g2, b_g2,
           W_eo, b_eo, W_ff, b_ff):
    n_real, d = x.shape
    d_out = W_ff.shape[1]
    e = edge_index.shape[1]
    n_pad = -(-(n_real + 1) // 1024) * 1024
    e_pad = -(-e // (NW * CHUNK)) * (NW * CHUNK)
    cpw = e_pad // (NW * CHUNK)

    src = edge_index[0].astype(jnp.int32)
    dst = edge_index[1].astype(jnp.int32)
    pad_idx = jnp.full((e_pad - e,), n_real, jnp.int32)
    src_r = jnp.concatenate([src, pad_idx]).reshape(NW, cpw, CHUNK)
    dst_r = jnp.concatenate([dst, pad_idx]).reshape(NW, cpw, CHUNK)
    zeros = jnp.zeros((n_pad, d), jnp.float32)
    x_pad = jnp.concatenate(
        [x.astype(jnp.float32), jnp.zeros((n_pad - n_real, d), jnp.float32)], 0)

    hs, hd = _build_sc_degrees(cpw, n_pad)(src_r, dst_r)
    ns2, nd2 = _build_tc_norms(n_pad)(hs, hd)
    norm_src = ns2.reshape(n_pad, 1)
    norm_dst = nd2.reshape(n_pad, 1)

    hn = _build_tc_in(n_pad, n_real, d)(x_pad, W_in, b_in.reshape(1, d),
                                        norm_src)
    spmm = _build_sc_spmm(cpw, n_pad, d)
    mid = _build_tc_mid(n_pad, n_real, d)
    for (W, b) in ((W_g0, b_g0), (W_g1, b_g1)):
        parts = spmm(hn, src_r, dst_r, zeros)
        hn = mid(parts, norm_dst, W, b.reshape(1, d), norm_src)
    parts = spmm(hn, src_r, dst_r, zeros)
    out = _build_tc_fin(n_pad, n_real, d, d_out)(
        parts, norm_dst, W_g2, b_g2.reshape(1, d), W_eo, b_eo.reshape(1, d),
        W_ff.reshape(d, d_out), b_ff.reshape(1, d_out))
    return out

# --- scband reference (transcript-rebuilt; emitter-appended) ---
"""Pipeline reference for scband-dglrepresentation-25005299598067 (READ-ONLY COPY).

The authoritative reference and input builder live on the scoring server;
editing this copy changes nothing except your own understanding.
"""

import jax, jax.numpy as jnp
import numpy as np

N_NODES = 10000
N_EDGES = 320000
D_IN = 128
D_HID = 128
D_OUT = 1
DEPTH = 3


def setup_inputs(seed: int = 0) -> dict:
    key = jax.random.key(seed)
    ks = jax.random.split(key, 16)
    x = jax.random.normal(ks[0], (N_NODES, D_IN), dtype=jnp.float32)
    edge_index = jax.random.randint(ks[1], (2, N_EDGES), 0, N_NODES, dtype=jnp.int64 if jax.config.jax_enable_x64 else jnp.int32)
    def lin(k, fan_in, fan_out):
        bound = 1.0 / np.sqrt(fan_in)
        kw, kb = jax.random.split(k)
        W = jax.random.uniform(kw, (fan_in, fan_out), minval=-bound, maxval=bound, dtype=jnp.float32)
        b = jax.random.uniform(kb, (fan_out,), minval=-bound, maxval=bound, dtype=jnp.float32)
        return W, b
    W_in, b_in = lin(ks[2], D_IN, D_HID)
    W_g0, b_g0 = lin(ks[3], D_HID, D_HID)
    W_g1, b_g1 = lin(ks[4], D_HID, D_HID)
    W_g2, b_g2 = lin(ks[5], D_HID, D_HID)
    W_eo, b_eo = lin(ks[6], D_HID, D_HID)
    W_ff, b_ff = lin(ks[7], D_HID, D_OUT)
    return {"x": x, "edge_index": edge_index, "W_in": W_in, "b_in": b_in,
            "W_g0": W_g0, "b_g0": b_g0, "W_g1": W_g1, "b_g1": b_g1,
            "W_g2": W_g2, "b_g2": b_g2, "W_eo": W_eo, "b_eo": b_eo,
            "W_ff": W_ff, "b_ff": b_ff}


def _graph_conv(h, src, dst, deg_out, deg_in, W, b):
    # DGL GraphConv with norm='both': D_dst^{-1/2} A D_src^{-1/2} H W + b
    norm_src = jax.lax.rsqrt(jnp.clip(deg_out, 1.0))
    norm_dst = jax.lax.rsqrt(jnp.clip(deg_in, 1.0))
    h = h * norm_src[:, None]
    m = jax.ops.segment_sum(h[src], dst, num_segments=N_NODES)
    m = m * norm_dst[:, None]
    return m @ W + b


def reference(x, edge_index, W_in, b_in, W_g0, b_g0, W_g1, b_g1, W_g2, b_g2, W_eo, b_eo, W_ff, b_ff):
    src = edge_index[0]
    dst = edge_index[1]
    ones = jnp.ones((src.shape[0],), dtype=jnp.float32)
    deg_out = jax.ops.segment_sum(ones, src, num_segments=N_NODES)
    deg_in = jax.ops.segment_sum(ones, dst, num_segments=N_NODES)
    h = jax.nn.silu(x @ W_in + b_in)
    for (W, b) in ((W_g0, b_g0), (W_g1, b_g1), (W_g2, b_g2)):
        h = _graph_conv(h, src, dst, deg_out, deg_in, W, b)
        h = jax.nn.silu(h)
    h = h @ W_eo + b_eo
    pooled = jnp.sum(h, axis=0, keepdims=True)  # dgl.sum_nodes on a single graph
    out = pooled @ W_ff + b_ff
    return out

if __name__ == "__main__":
    import jax
    _d = setup_inputs()
    print(jax.jit(kernel)(*tuple(_d.values())))

</pallas_src>

<mosaic_0001>
#map = affine_map<(d0, d1) -> (0, 0)>
#map1 = affine_map<(d0, d1) -> (0, 0, 0)>
module attributes {stable_mosaic.version = 14 : i64} {
  func.func @spmm_kernel(%arg0: i32, %arg1: i32, %arg2: memref<10240x128xf32, #tpu.memory_space<hbm>>, %arg3: memref<32x79x128xi32, #tpu.memory_space<hbm>>, %arg4: memref<32x79x128xi32, #tpu.memory_space<hbm>>, %arg5: memref<10240x128xf32, #tpu.memory_space<hbm>>, %arg6: memref<2x10240x128xf32, #tpu.memory_space<hbm>>, %arg7: memref<79x128xi32, #tpu.memory_space<vmem>>, %arg8: memref<79x128xi32, #tpu.memory_space<vmem>>, %arg9: memref<128x128xf32, #tpu.memory_space<vmem>>, %arg10: memref<10240x128xf32, #tpu.memory_space<vmem_shared>>, %arg11: memref<!tpu.dma_semaphore, #tpu.memory_space<semaphore_mem>>) attributes {dimension_semantics = [#tpu.dimension_semantics<core_parallel>, #tpu.dimension_semantics<subcore_parallel>], iteration_bounds = array<i64: 2, 16>, scalar_prefetch = 0 : i64, scratch_operands = 5 : i64, tpu.core_type = #tpu.core_type<sc_vector_subcore>, window_params = [{transform_indices = #map}, {transform_indices = #map1}, {transform_indices = #map1}, {transform_indices = #map}, {transform_indices = #map1}]} {
    %mul3A = arith.constant 2 : i32
    %mul3A_0 = arith.muli %arg1, %mul3A : i32
    %add3A = arith.addi %mul3A_0, %arg0 : i32
    "tpu.region"() ({
      %run_scoped3A = tpu.sem_alloc : memref<!tpu.dma_semaphore, #tpu.memory_space<semaphore_mem>>
      %dma_start3A = arith.constant 0 : i32
      %dma_start3A_9 = arith.constant 0 : i32
      %dma_start3A_10 = tpu.memref_slice %arg3[%add3A, %dma_start3A, %dma_start3A_9] : memref<32x79x128xi32, #tpu.memory_space<hbm>> -> memref<1x79x128xi32, #tpu.memory_space<hbm>>
      %dma_start3A_11 = tpu.memref_squeeze %dma_start3A_10 : memref<1x79x128xi32, #tpu.memory_space<hbm>> -> memref<79x128xi32, #tpu.memory_space<hbm>>
      %dma_start3A_12 = arith.constant 0 : i32
      %dma_start3A_13 = arith.constant 0 : i32
      %dma_start3A_14 = tpu.memref_slice %arg3[%add3A, %dma_start3A_12, %dma_start3A_13] : memref<32x79x128xi32, #tpu.memory_space<hbm>> -> memref<1x79x128xi32, #tpu.memory_space<hbm>>
      %dma_start3A_15 = tpu.memref_squeeze %dma_start3A_14 : memref<1x79x128xi32, #tpu.memory_space<hbm>> -> memref<79x128xi32, #tpu.memory_space<hbm>>
      tpu.enqueue_dma source(%dma_start3A_15 : memref<79x128xi32, #tpu.memory_space<hbm>>) target(%arg7 : memref<79x128xi32, #tpu.memory_space<vmem>>) target_semaphore(%run_scoped3A : memref<!tpu.dma_semaphore, #tpu.memory_space<semaphore_mem>>)
      %dma_wait3A = arith.constant 0 : i32
      %dma_wait3A_16 = arith.constant 0 : i32
      %dma_wait3A_17 = tpu.memref_slice %arg3[%add3A, %dma_wait3A, %dma_wait3A_16] : memref<32x79x128xi32, #tpu.memory_space<hbm>> -> memref<1x79x128xi32, #tpu.memory_space<hbm>>
      %dma_wait3A_18 = tpu.memref_squeeze %dma_wait3A_17 : memref<1x79x128xi32, #tpu.memory_space<hbm>> -> memref<79x128xi32, #tpu.memory_space<hbm>>
      %dma_wait3A_19 = arith.constant 0 : i32
      %dma_wait3A_20 = arith.constant 0 : i32
      %dma_wait3A_21 = tpu.memref_slice %arg3[%add3A, %dma_wait3A_19, %dma_wait3A_20] : memref<32x79x128xi32, #tpu.memory_space<hbm>> -> memref<1x79x128xi32, #tpu.memory_space<hbm>>
      %dma_wait3A_22 = tpu.memref_squeeze %dma_wait3A_21 : memref<1x79x128xi32, #tpu.memory_space<hbm>> -> memref<79x128xi32, #tpu.memory_space<hbm>>
      tpu.wait_dma2 semaphore(%run_scoped3A : memref<!tpu.dma_semaphore, #tpu.memory_space<semaphore_mem>>) src(%dma_wait3A_22 : memref<79x128xi32, #tpu.memory_space<hbm>>) dst(%arg7 : memref<79x128xi32, #tpu.memory_space<vmem>>)
      tpu.yield
    }) : () -> ()
    "tpu.region"() ({
      %run_scoped3A = tpu.sem_alloc : memref<!tpu.dma_semaphore, #tpu.memory_space<semaphore_mem>>
      %dma_start3A = arith.constant 0 : i32
      %dma_start3A_9 = arith.constant 0 : i32
      %dma_start3A_10 = tpu.memref_slice %arg4[%add3A, %dma_start3A, %dma_start3A_9] : memref<32x79x128xi32, #tpu.memory_space<hbm>> -> memref<1x79x128xi32, #tpu.memory_space<hbm>>
      %dma_start3A_11 = tpu.memref_squeeze %dma_start3A_10 : memref<1x79x128xi32, #tpu.memory_space<hbm>> -> memref<79x128xi32, #tpu.memory_space<hbm>>
      %dma_start3A_12 = arith.constant 0 : i32
      %dma_start3A_13 = arith.constant 0 : i32
      %dma_start3A_14 = tpu.memref_slice %arg4[%add3A, %dma_start3A_12, %dma_start3A_13] : memref<32x79x128xi32, #tpu.memory_space<hbm>> -> memref<1x79x128xi32, #tpu.memory_space<hbm>>
      %dma_start3A_15 = tpu.memref_squeeze %dma_start3A_14 : memref<1x79x128xi32, #tpu.memory_space<hbm>> -> memref<79x128xi32, #tpu.memory_space<hbm>>
      tpu.enqueue_dma source(%dma_start3A_15 : memref<79x128xi32, #tpu.memory_space<hbm>>) target(%arg8 : memref<79x128xi32, #tpu.memory_space<vmem>>) target_semaphore(%run_scoped3A : memref<!tpu.dma_semaphore, #tpu.memory_space<semaphore_mem>>)
      %dma_wait3A = arith.constant 0 : i32
      %dma_wait3A_16 = arith.constant 0 : i32
      %dma_wait3A_17 = tpu.memref_slice %arg4[%add3A, %dma_wait3A, %dma_wait3A_16] : memref<32x79x128xi32, #tpu.memory_space<hbm>> -> memref<1x79x128xi32, #tpu.memory_space<hbm>>
      %dma_wait3A_18 = tpu.memref_squeeze %dma_wait3A_17 : memref<1x79x128xi32, #tpu.memory_space<hbm>> -> memref<79x128xi32, #tpu.memory_space<hbm>>
      %dma_wait3A_19 = arith.constant 0 : i32
      %dma_wait3A_20 = arith.constant 0 : i32
      %dma_wait3A_21 = tpu.memref_slice %arg4[%add3A, %dma_wait3A_19, %dma_wait3A_20] : memref<32x79x128xi32, #tpu.memory_space<hbm>> -> memref<1x79x128xi32, #tpu.memory_space<hbm>>
      %dma_wait3A_22 = tpu.memref_squeeze %dma_wait3A_21 : memref<1x79x128xi32, #tpu.memory_space<hbm>> -> memref<79x128xi32, #tpu.memory_space<hbm>>
      tpu.wait_dma2 semaphore(%run_scoped3A : memref<!tpu.dma_semaphore, #tpu.memory_space<semaphore_mem>>) src(%dma_wait3A_22 : memref<79x128xi32, #tpu.memory_space<hbm>>) dst(%arg8 : memref<79x128xi32, #tpu.memory_space<vmem>>)
      tpu.yield
    }) : () -> ()
    %mul3A_1 = arith.constant 640 : i32
    %mul3A_2 = arith.muli %arg1, %mul3A_1 : i32
    %multiple_of3A = tpu.assume_multiple %mul3A_2, 8 : i32
    "tpu.region"() ({
      %run_scoped3A = tpu.sem_alloc : memref<!tpu.dma_semaphore, #tpu.memory_space<semaphore_mem>>
      %dma_start3A = arith.constant 0 : i32
      %dma_start3A_9 = tpu.memref_slice %arg10[%multiple_of3A, %dma_start3A] : memref<10240x128xf32, #tpu.memory_space<vmem_shared>> -> memref<640x128xf32, #tpu.memory_space<vmem_shared>>
      %dma_start3A_10 = arith.constant 0 : i32
      %dma_start3A_11 = tpu.memref_slice %arg5[%multiple_of3A, %dma_start3A_10] : memref<10240x128xf32, #tpu.memory_space<hbm>> -> memref<640x128xf32, #tpu.memory_space<hbm>>
      tpu.enqueue_dma source(%dma_start3A_11 : memref<640x128xf32, #tpu.memory_space<hbm>>) target(%dma_start3A_9 : memref<640x128xf32, #tpu.memory_space<vmem_shared>>) target_semaphore(%run_scoped3A : memref<!tpu.dma_semaphore, #tpu.memory_space<semaphore_mem>>)
      %dma_wait3A = arith.constant 0 : i32
      %dma_wait3A_12 = tpu.memref_slice %arg10[%multiple_of3A, %dma_wait3A] : memref<10240x128xf32, #tpu.memory_space<vmem_shared>> -> memref<640x128xf32, #tpu.memory_space<vmem_shared>>
      %dma_wait3A_13 = arith.constant 0 : i32
      %dma_wait3A_14 = tpu.memref_slice %arg5[%multiple_of3A, %dma_wait3A_13] : memref<10240x128xf32, #tpu.memory_space<hbm>> -> memref<640x128xf32, #tpu.memory_space<hbm>>
      tpu.wait_dma2 semaphore(%run_scoped3A : memref<!tpu.dma_semaphore, #tpu.memory_space<semaphore_mem>>) src(%dma_wait3A_14 : memref<640x128xf32, #tpu.memory_space<hbm>>) dst(%dma_wait3A_12 : memref<640x128xf32, #tpu.memory_space<vmem_shared>>)
      tpu.yield
    }) : () -> ()
    %barrier3A = arith.constant 0 : index
    tpu.barrier barrier_id(%barrier3A)
    %scan3A = arith.constant 0 : i32
    %scan3A_3 = arith.constant 0 : i32
    %scan3A_4 = arith.constant 79 : i32
    %scan3A_5 = arith.addi %scan3A_3, %scan3A_4 : i32
    %scan3A_6 = arith.constant 1 : i32
    scf.for %scan3A_9 = %scan3A_3 to %scan3A_5 step %scan3A_6  : i32 {
      %dma_start3A = arith.constant 0 : i32
      %dma_start3A_10 = tpu.memref_slice %arg7[%scan3A_9, %dma_start3A] : memref<79x128xi32, #tpu.memory_space<vmem>> -> memref<1x128xi32, #tpu.memory_space<vmem>>
      %dma_start3A_11 = tpu.memref_squeeze %dma_start3A_10 : memref<1x128xi32, #tpu.memory_space<vmem>> -> memref<128xi32, #tpu.memory_space<vmem>>
      %dma_start3A_12 = arith.constant 0 : i32
      %dma_start3A_13 = arith.constant 0 : i32
      %dma_start3A_14 = tpu.memref_slice %arg2[%dma_start3A_12, %dma_start3A_13] : memref<10240x128xf32, #tpu.memory_space<hbm>> -> memref<10240x128xf32, #tpu.memory_space<hbm>>
      tpu.enqueue_indirect_dma source(%dma_start3A_14 : memref<10240x128xf32, #tpu.memory_space<hbm>>) target(%arg9 : memref<128x128xf32, #tpu.memory_space<vmem>>) offsets(%dma_start3A_11 : memref<128xi32, #tpu.memory_space<vmem>>) semaphore(%arg11 : memref<!tpu.dma_semaphore, #tpu.memory_space<semaphore_mem>>)
      %dma_wait3A = arith.constant 0 : i32
      %dma_wait3A_15 = tpu.memref_slice %arg7[%scan3A_9, %dma_wait3A] : memref<79x128xi32, #tpu.memory_space<vmem>> -> memref<1x128xi32, #tpu.memory_space<vmem>>
      %dma_wait3A_16 = tpu.memref_squeeze %dma_wait3A_15 : memref<1x128xi32, #tpu.memory_space<vmem>> -> memref<128xi32, #tpu.memory_space<vmem>>
      %dma_wait3A_17 = arith.constant 0 : i32
      %dma_wait3A_18 = arith.constant 0 : i32
      %dma_wait3A_19 = tpu.memref_slice %arg2[%dma_wait3A_17, %dma_wait3A_18] : memref<10240x128xf32, #tpu.memory_space<hbm>> -> memref<10240x128xf32, #tpu.memory_space<hbm>>
      tpu.wait_indirect_dma semaphore(%arg11 : memref<!tpu.dma_semaphore, #tpu.memory_space<semaphore_mem>>) src(%dma_wait3A_19 : memref<10240x128xf32, #tpu.memory_space<hbm>>) dst(%arg9 : memref<128x128xf32, #tpu.memory_space<vmem>>)
      "tpu.region"() ({
        %run_scoped3A = tpu.sem_alloc : memref<!tpu.dma_semaphore, #tpu.memory_space<semaphore_mem>>
        %dma_start3A_20 = arith.constant 0 : i32
        %dma_start3A_21 = tpu.memref_slice %arg8[%scan3A_9, %dma_start3A_20] : memref<79x128xi32, #tpu.memory_space<vmem>> -> memref<1x128xi32, #tpu.memory_space<vmem>>
        %dma_start3A_22 = tpu.memref_squeeze %dma_start3A_21 : memref<1x128xi32, #tpu.memory_space<vmem>> -> memref<128xi32, #tpu.memory_space<vmem>>
        %dma_start3A_23 = arith.constant 0 : i32
        %dma_start3A_24 = arith.constant 0 : i32
        %dma_start3A_25 = tpu.memref_slice %arg10[%dma_start3A_23, %dma_start3A_24] : memref<10240x128xf32, #tpu.memory_space<vmem_shared>> -> memref<10240x128xf32, #tpu.memory_space<vmem_shared>>
        tpu.enqueue_indirect_dma source(%arg9 : memref<128x128xf32, #tpu.memory_space<vmem>>) target(%dma_start3A_25 : memref<10240x128xf32, #tpu.memory_space<vmem_shared>>) offsets(%dma_start3A_22 : memref<128xi32, #tpu.memory_space<vmem>>) semaphore(%run_scoped3A : memref<!tpu.dma_semaphore, #tpu.memory_space<semaphore_mem>>) {add = true}
        %dma_wait3A_26 = arith.constant 0 : i32
        %dma_wait3A_27 = tpu.memref_slice %arg8[%scan3A_9, %dma_wait3A_26] : memref<79x128xi32, #tpu.memory_space<vmem>> -> memref<1x128xi32, #tpu.memory_space<vmem>>
        %dma_wait3A_28 = tpu.memref_squeeze %dma_wait3A_27 : memref<1x128xi32, #tpu.memory_space<vmem>> -> memref<128xi32, #tpu.memory_space<vmem>>
        %dma_wait3A_29 = arith.constant 0 : i32
        %dma_wait3A_30 = arith.constant 0 : i32
        %dma_wait3A_31 = tpu.memref_slice %arg10[%dma_wait3A_29, %dma_wait3A_30] : memref<10240x128xf32, #tpu.memory_space<vmem_shared>> -> memref<10240x128xf32, #tpu.memory_space<vmem_shared>>
        tpu.wait_indirect_dma semaphore(%run_scoped3A : memref<!tpu.dma_semaphore, #tpu.memory_space<semaphore_mem>>) src(%arg9 : memref<128x128xf32, #tpu.memory_space<vmem>>) dst(%dma_wait3A_31 : memref<10240x128xf32, #tpu.memory_space<vmem_shared>>)
        tpu.yield
      }) : () -> ()
    }
    %scan3A_7 = arith.constant 79 : i32
    %barrier3A_8 = arith.constant 0 : index
    tpu.barrier barrier_id(%barrier3A_8)
    "tpu.region"() ({
      %run_scoped3A = tpu.sem_alloc : memref<!tpu.dma_semaphore, #tpu.memory_space<semaphore_mem>>
      %dma_start3A = arith.constant 0 : i32
      %dma_start3A_9 = tpu.memref_slice %arg6[%arg0, %multiple_of3A, %dma_start3A] : memref<2x10240x128xf32, #tpu.memory_space<hbm>> -> memref<1x640x128xf32, #tpu.memory_space<hbm>>
      %dma_start3A_10 = tpu.memref_squeeze %dma_start3A_9 : memref<1x640x128xf32, #tpu.memory_space<hbm>> -> memref<640x128xf32, #tpu.memory_space<hbm>>
      %dma_start3A_11 = arith.constant 0 : i32
      %dma_start3A_12 = tpu.memref_slice %arg10[%multiple_of3A, %dma_start3A_11] : memref<10240x128xf32, #tpu.memory_space<vmem_shared>> -> memref<640x128xf32, #tpu.memory_space<vmem_shared>>
      tpu.enqueue_dma source(%dma_start3A_12 : memref<640x128xf32, #tpu.memory_space<vmem_shared>>) target(%dma_start3A_10 : memref<640x128xf32, #tpu.memory_space<hbm>>) target_semaphore(%run_scoped3A : memref<!tpu.dma_semaphore, #tpu.memory_space<semaphore_mem>>)
      %dma_wait3A = arith.constant 0 : i32
      %dma_wait3A_13 = tpu.memref_slice %arg6[%arg0, %multiple_of3A, %dma_wait3A] : memref<2x10240x128xf32, #tpu.memory_space<hbm>> -> memref<1x640x128xf32, #tpu.memory_space<hbm>>
      %dma_wait3A_14 = tpu.memref_squeeze %dma_wait3A_13 : memref<1x640x128xf32, #tpu.memory_space<hbm>> -> memref<640x128xf32, #tpu.memory_space<hbm>>
      %dma_wait3A_15 = arith.constant 0 : i32
      %dma_wait3A_16 = tpu.memref_slice %arg10[%multiple_of3A, %dma_wait3A_15] : memref<10240x128xf32, #tpu.memory_space<vmem_shared>> -> memref<640x128xf32, #tpu.memory_space<vmem_shared>>
      tpu.wait_dma2 semaphore(%run_scoped3A : memref<!tpu.dma_semaphore, #tpu.memory_space<semaphore_mem>>) src(%dma_wait3A_16 : memref<640x128xf32, #tpu.memory_space<vmem_shared>>) dst(%dma_wait3A_14 : memref<640x128xf32, #tpu.memory_space<hbm>>)
      tpu.yield
    }) : () -> ()
    return
  }
}

#map = affine_map<(d0, d1) -> (0, 0, 0)>
#map1 = affine_map<(d0, d1) -> (0, 0)>
module attributes {stable_mosaic.version = 14 : i64} {
  func.func @deg_kernel(%arg0: i32, %arg1: i32, %arg2: memref<32x79x128xi32, #tpu.memory_space<hbm>>, %arg3: memref<32x79x128xi32, #tpu.memory_space<hbm>>, %arg4: memref<32x10240xf32, #tpu.memory_space<hbm>>, %arg5: memref<32x10240xf32, #tpu.memory_space<hbm>>, %arg6: memref<79x128xi32, #tpu.memory_space<vmem>>, %arg7: memref<79x128xi32, #tpu.memory_space<vmem>>, %arg8: memref<10240xf32, #tpu.memory_space<vmem>>, %arg9: memref<10240xf32, #tpu.memory_space<vmem>>) attributes {dimension_semantics = [#tpu.dimension_semantics<core_parallel>, #tpu.dimension_semantics<subcore_parallel>], iteration_bounds = array<i64: 2, 16>, scalar_prefetch = 0 : i64, scratch_operands = 4 : i64, tpu.core_type = #tpu.core_type<sc_vector_subcore>, window_params = [{transform_indices = #map}, {transform_indices = #map}, {transform_indices = #map1}, {transform_indices = #map1}]} {
    %mul3A = arith.constant 2 : i32
    %mul3A_0 = arith.muli %arg1, %mul3A : i32
    %add3A = arith.addi %mul3A_0, %arg0 : i32
    "tpu.region"() ({
      %run_scoped3A = tpu.sem_alloc : memref<!tpu.dma_semaphore, #tpu.memory_space<semaphore_mem>>
      %dma_start3A = arith.constant 0 : i32
      %dma_start3A_15 = arith.constant 0 : i32
      %dma_start3A_16 = tpu.memref_slice %arg2[%add3A, %dma_start3A, %dma_start3A_15] : memref<32x79x128xi32, #tpu.memory_space<hbm>> -> memref<1x79x128xi32, #tpu.memory_space<hbm>>
      %dma_start3A_17 = tpu.memref_squeeze %dma_start3A_16 : memref<1x79x128xi32, #tpu.memory_space<hbm>> -> memref<79x128xi32, #tpu.memory_space<hbm>>
      %dma_start3A_18 = arith.constant 0 : i32
      %dma_start3A_19 = arith.constant 0 : i32
      %dma_start3A_20 = tpu.memref_slice %arg2[%add3A, %dma_start3A_18, %dma_start3A_19] : memref<32x79x128xi32, #tpu.memory_space<hbm>> -> memref<1x79x128xi32, #tpu.memory_space<hbm>>
      %dma_start3A_21 = tpu.memref_squeeze %dma_start3A_20 : memref<1x79x128xi32, #tpu.memory_space<hbm>> -> memref<79x128xi32, #tpu.memory_space<hbm>>
      tpu.enqueue_dma source(%dma_start3A_21 : memref<79x128xi32, #tpu.memory_space<hbm>>) target(%arg6 : memref<79x128xi32, #tpu.memory_space<vmem>>) target_semaphore(%run_scoped3A : memref<!tpu.dma_semaphore, #tpu.memory_space<semaphore_mem>>)
      %dma_wait3A = arith.constant 0 : i32
      %dma_wait3A_22 = arith.constant 0 : i32
      %dma_wait3A_23 = tpu.memref_slice %arg2[%add3A, %dma_wait3A, %dma_wait3A_22] : memref<32x79x128xi32, #tpu.memory_space<hbm>> -> memref<1x79x128xi32, #tpu.memory_space<hbm>>
      %dma_wait3A_24 = tpu.memref_squeeze %dma_wait3A_23 : memref<1x79x128xi32, #tpu.memory_space<hbm>> -> memref<79x128xi32, #tpu.memory_space<hbm>>
      %dma_wait3A_25 = arith.constant 0 : i32
      %dma_wait3A_26 = arith.constant 0 : i32
      %dma_wait3A_27 = tpu.memref_slice %arg2[%add3A, %dma_wait3A_25, %dma_wait3A_26] : memref<32x79x128xi32, #tpu.memory_space<hbm>> -> memref<1x79x128xi32, #tpu.memory_space<hbm>>
      %dma_wait3A_28 = tpu.memref_squeeze %dma_wait3A_27 : memref<1x79x128xi32, #tpu.memory_space<hbm>> -> memref<79x128xi32, #tpu.memory_space<hbm>>
      tpu.wait_dma2 semaphore(%run_scoped3A : memref<!tpu.dma_semaphore, #tpu.memory_space<semaphore_mem>>) src(%dma_wait3A_28 : memref<79x128xi32, #tpu.memory_space<hbm>>) dst(%arg6 : memref<79x128xi32, #tpu.memory_space<vmem>>)
      tpu.yield
    }) : () -> ()
    "tpu.region"() ({
      %run_scoped3A = tpu.sem_alloc : memref<!tpu.dma_semaphore, #tpu.memory_space<semaphore_mem>>
      %dma_start3A = arith.constant 0 : i32
      %dma_start3A_15 = arith.constant 0 : i32
      %dma_start3A_16 = tpu.memref_slice %arg3[%add3A, %dma_start3A, %dma_start3A_15] : memref<32x79x128xi32, #tpu.memory_space<hbm>> -> memref<1x79x128xi32, #tpu.memory_space<hbm>>
      %dma_start3A_17 = tpu.memref_squeeze %dma_start3A_16 : memref<1x79x128xi32, #tpu.memory_space<hbm>> -> memref<79x128xi32, #tpu.memory_space<hbm>>
      %dma_start3A_18 = arith.constant 0 : i32
      %dma_start3A_19 = arith.constant 0 : i32
      %dma_start3A_20 = tpu.memref_slice %arg3[%add3A, %dma_start3A_18, %dma_start3A_19] : memref<32x79x128xi32, #tpu.memory_space<hbm>> -> memref<1x79x128xi32, #tpu.memory_space<hbm>>
      %dma_start3A_21 = tpu.memref_squeeze %dma_start3A_20 : memref<1x79x128xi32, #tpu.memory_space<hbm>> -> memref<79x128xi32, #tpu.memory_space<hbm>>
      tpu.enqueue_dma source(%dma_start3A_21 : memref<79x128xi32, #tpu.memory_space<hbm>>) target(%arg7 : memref<79x128xi32, #tpu.memory_space<vmem>>) target_semaphore(%run_scoped3A : memref<!tpu.dma_semaphore, #tpu.memory_space<semaphore_mem>>)
      %dma_wait3A = arith.constant 0 : i32
      %dma_wait3A_22 = arith.constant 0 : i32
      %dma_wait3A_23 = tpu.memref_slice %arg3[%add3A, %dma_wait3A, %dma_wait3A_22] : memref<32x79x128xi32, #tpu.memory_space<hbm>> -> memref<1x79x128xi32, #tpu.memory_space<hbm>>
      %dma_wait3A_24 = tpu.memref_squeeze %dma_wait3A_23 : memref<1x79x128xi32, #tpu.memory_space<hbm>> -> memref<79x128xi32, #tpu.memory_space<hbm>>
      %dma_wait3A_25 = arith.constant 0 : i32
      %dma_wait3A_26 = arith.constant 0 : i32
      %dma_wait3A_27 = tpu.memref_slice %arg3[%add3A, %dma_wait3A_25, %dma_wait3A_26] : memref<32x79x128xi32, #tpu.memory_space<hbm>> -> memref<1x79x128xi32, #tpu.memory_space<hbm>>
      %dma_wait3A_28 = tpu.memref_squeeze %dma_wait3A_27 : memref<1x79x128xi32, #tpu.memory_space<hbm>> -> memref<79x128xi32, #tpu.memory_space<hbm>>
      tpu.wait_dma2 semaphore(%run_scoped3A : memref<!tpu.dma_semaphore, #tpu.memory_space<semaphore_mem>>) src(%dma_wait3A_28 : memref<79x128xi32, #tpu.memory_space<hbm>>) dst(%arg7 : memref<79x128xi32, #tpu.memory_space<vmem>>)
      tpu.yield
    }) : () -> ()
    %broadcast_in_dim3A = arith.constant 0.000000e+00 : f32
    %broadcast_in_dim3A_1 = vector.broadcast %broadcast_in_dim3A : f32 to vector<16xf32>
    %scan3A = arith.constant 0 : i32
    %scan3A_2 = arith.constant 0 : i32
    %scan3A_3 = arith.constant 640 : i32
    %scan3A_4 = arith.addi %scan3A_2, %scan3A_3 : i32
    %scan3A_5 = arith.constant 1 : i32
    scf.for %scan3A_15 = %scan3A_2 to %scan3A_4 step %scan3A_5  : i32 {
      %mul3A_16 = arith.constant 16 : i32
      %mul3A_17 = arith.muli %scan3A_15, %mul3A_16 : i32
      %swap3A = arith.index_cast %mul3A_17 : i32 to index
      %swap3A_18 = tpu.vector_load %arg8[%swap3A] {strides = array<i32>} : memref<10240xf32, #tpu.memory_space<vmem>>, vector<16xf32>,
      tpu.vector_store %arg8[%swap3A], %broadcast_in_dim3A_1 {strides = array<i32>} : memref<10240xf32, #tpu.memory_space<vmem>>, vector<16xf32>,
      %mul3A_19 = arith.constant 16 : i32
      %mul3A_20 = arith.muli %scan3A_15, %mul3A_19 : i32
      %swap3A_21 = arith.index_cast %mul3A_20 : i32 to index
      %swap3A_22 = tpu.vector_load %arg9[%swap3A_21] {strides = array<i32>} : memref<10240xf32, #tpu.memory_space<vmem>>, vector<16xf32>,
      tpu.vector_store %arg9[%swap3A_21], %broadcast_in_dim3A_1 {strides = array<i32>} : memref<10240xf32, #tpu.memory_space<vmem>>, vector<16xf32>,
    }
    %scan3A_6 = arith.constant 640 : i32
    %broadcast_in_dim3A_7 = arith.constant 1.000000e+00 : f32
    %broadcast_in_dim3A_8 = vector.broadcast %broadcast_in_dim3A_7 : f32 to vector<16xf32>
    %scan3A_9 = arith.constant 0 : i32
    %scan3A_10 = arith.constant 0 : i32
    %scan3A_11 = arith.constant 632 : i32
    %scan3A_12 = arith.addi %scan3A_10, %scan3A_11 : i32
    %scan3A_13 = arith.constant 1 : i32
    scf.for %scan3A_15 = %scan3A_10 to %scan3A_12 step %scan3A_13  : i32 {
      %jit3A = arith.constant 8 : i32
      %div3A = arith.divsi %scan3A_15, %jit3A : i32
      %sign3A = arith.constant 0 : i32
      %sign3A_16 = arith.cmpi sgt, %scan3A_15, %sign3A : i32
      %sign3A_17 = arith.extui %sign3A_16 : i1 to i32
      %sign3A_18 = arith.constant 0 : i32
      %sign3A_19 = arith.cmpi slt, %scan3A_15, %sign3A_18 : i32
      %sign3A_20 = arith.extui %sign3A_19 : i1 to i32
      %sign3A_21 = arith.subi %sign3A_17, %sign3A_20 : i32
      %sign3A_22 = arith.constant 0 : i32
      %sign3A_23 = arith.cmpi sgt, %jit3A, %sign3A_22 : i32
      %sign3A_24 = arith.extui %sign3A_23 : i1 to i32
      %sign3A_25 = arith.constant 0 : i32
      %sign3A_26 = arith.cmpi slt, %jit3A, %sign3A_25 : i32
      %sign3A_27 = arith.extui %sign3A_26 : i1 to i32
      %sign3A_28 = arith.subi %sign3A_24, %sign3A_27 : i32
      %ne3A = arith.cmpi ne, %sign3A_21, %sign3A_28 : i32
      %rem3A = arith.remsi %scan3A_15, %jit3A : i32
      %ne3A_29 = arith.constant 0 : i32
      %ne3A_30 = arith.cmpi ne, %rem3A, %ne3A_29 : i32
      %and3A = arith.andi %ne3A, %ne3A_30 : i1
      %sub3A = arith.constant 1 : i32
      %sub3A_31 = arith.subi %div3A, %sub3A : i32
      %select_n3A = arith.select %and3A, %sub3A_31, %div3A : i32
      %jit3A_32 = arith.constant 8 : i32
      %eq3A = arith.constant 0 : i32
      %eq3A_33 = arith.cmpi eq, %jit3A_32, %eq3A : i32
      %jit3A_34 = arith.constant 1 : i32
      %select_n3A_35 = arith.select %eq3A_33, %jit3A_34, %jit3A_32 : i32
      %rem3A_36 = arith.remsi %scan3A_15, %select_n3A_35 : i32
      %ne3A_37 = arith.constant 0 : i32
      %ne3A_38 = arith.cmpi ne, %rem3A_36, %ne3A_37 : i32
      %lt3A = arith.constant 0 : i32
      %lt3A_39 = arith.cmpi slt, %rem3A_36, %lt3A : i32
      %lt3A_40 = arith.constant 0 : i32
      %lt3A_41 = arith.cmpi slt, %select_n3A_35, %lt3A_40 : i32
      %ne3A_42 = arith.xori %lt3A_39, %lt3A_41 : i1
      %and3A_43 = arith.andi %ne3A_42, %ne3A_38 : i1
      %add3A_44 = arith.addi %rem3A_36, %select_n3A_35 : i32
      %select_n3A_45 = arith.select %and3A_43, %add3A_44, %rem3A_36 : i32
      %mul3A_46 = arith.constant 16 : i32
      %mul3A_47 = arith.muli %select_n3A_45, %mul3A_46 : i32
      %get3A = arith.index_cast %select_n3A : i32 to index
      %get3A_48 = arith.index_cast %mul3A_47 : i32 to index
      %get3A_49 = tpu.vector_load %arg6[%get3A, %get3A_48] {strides = array<i32>} : memref<79x128xi32, #tpu.memory_space<vmem>>, vector<16xi32>,
      %mul3A_50 = arith.constant 16 : i32
      %mul3A_51 = arith.muli %select_n3A_45, %mul3A_50 : i32
      %get3A_52 = arith.index_cast %select_n3A : i32 to index
      %get3A_53 = arith.index_cast %mul3A_51 : i32 to index
      %get3A_54 = tpu.vector_load %arg7[%get3A_52, %get3A_53] {strides = array<i32>} : memref<79x128xi32, #tpu.memory_space<vmem>>, vector<16xi32>,
      tpu.vector_store_idx %arg8[%get3A_49], %broadcast_in_dim3A_8 {add = true} : memref<10240xf32, #tpu.memory_space<vmem>>[vector<16xi32>], vector<16xf32>,
      tpu.vector_store_idx %arg9[%get3A_54], %broadcast_in_dim3A_8 {add = true} : memref<10240xf32, #tpu.memory_space<vmem>>[vector<16xi32>], vector<16xf32>,
    }
    %scan3A_14 = arith.constant 632 : i32
    "tpu.region"() ({
      %run_scoped3A = tpu.sem_alloc : memref<!tpu.dma_semaphore, #tpu.memory_space<semaphore_mem>>
      %dma_start3A = arith.constant 0 : i32
      %dma_start3A_15 = tpu.memref_slice %arg4[%add3A, %dma_start3A] : memref<32x10240xf32, #tpu.memory_space<hbm>> -> memref<1x10240xf32, #tpu.memory_space<hbm>>
      %dma_start3A_16 = tpu.memref_squeeze %dma_start3A_15 : memref<1x10240xf32, #tpu.memory_space<hbm>> -> memref<10240xf32, #tpu.memory_space<hbm>>
      %dma_start3A_17 = arith.constant 0 : i32
      %dma_start3A_18 = tpu.memref_slice %arg4[%add3A, %dma_start3A_17] : memref<32x10240xf32, #tpu.memory_space<hbm>> -> memref<1x10240xf32, #tpu.memory_space<hbm>>
      %dma_start3A_19 = tpu.memref_squeeze %dma_start3A_18 : memref<1x10240xf32, #tpu.memory_space<hbm>> -> memref<10240xf32, #tpu.memory_space<hbm>>
      tpu.enqueue_dma source(%arg8 : memref<10240xf32, #tpu.memory_space<vmem>>) target(%dma_start3A_19 : memref<10240xf32, #tpu.memory_space<hbm>>) target_semaphore(%run_scoped3A : memref<!tpu.dma_semaphore, #tpu.memory_space<semaphore_mem>>)
      %dma_wait3A = arith.constant 0 : i32
      %dma_wait3A_20 = tpu.memref_slice %arg4[%add3A, %dma_wait3A] : memref<32x10240xf32, #tpu.memory_space<hbm>> -> memref<1x10240xf32, #tpu.memory_space<hbm>>
      %dma_wait3A_21 = tpu.memref_squeeze %dma_wait3A_20 : memref<1x10240xf32, #tpu.memory_space<hbm>> -> memref<10240xf32, #tpu.memory_space<hbm>>
      %dma_wait3A_22 = arith.constant 0 : i32
      %dma_wait3A_23 = tpu.memref_slice %arg4[%add3A, %dma_wait3A_22] : memref<32x10240xf32, #tpu.memory_space<hbm>> -> memref<1x10240xf32, #tpu.memory_space<hbm>>
      %dma_wait3A_24 = tpu.memref_squeeze %dma_wait3A_23 : memref<1x10240xf32, #tpu.memory_space<hbm>> -> memref<10240xf32, #tpu.memory_space<hbm>>
      tpu.wait_dma2 semaphore(%run_scoped3A : memref<!tpu.dma_semaphore, #tpu.memory_space<semaphore_mem>>) src(%arg8 : memref<10240xf32, #tpu.memory_space<vmem>>) dst(%dma_wait3A_24 : memref<10240xf32, #tpu.memory_space<hbm>>)
      tpu.yield
    }) : () -> ()
    "tpu.region"() ({
      %run_scoped3A = tpu.sem_alloc : memref<!tpu.dma_semaphore, #tpu.memory_space<semaphore_mem>>
      %dma_start3A = arith.constant 0 : i32
      %dma_start3A_15 = tpu.memref_slice %arg5[%add3A, %dma_start3A] : memref<32x10240xf32, #tpu.memory_space<hbm>> -> memref<1x10240xf32, #tpu.memory_space<hbm>>
      %dma_start3A_16 = tpu.memref_squeeze %dma_start3A_15 : memref<1x10240xf32, #tpu.memory_space<hbm>> -> memref<10240xf32, #tpu.memory_space<hbm>>
      %dma_start3A_17 = arith.constant 0 : i32
      %dma_start3A_18 = tpu.memref_slice %arg5[%add3A, %dma_start3A_17] : memref<32x10240xf32, #tpu.memory_space<hbm>> -> memref<1x10240xf32, #tpu.memory_space<hbm>>
      %dma_start3A_19 = tpu.memref_squeeze %dma_start3A_18 : memref<1x10240xf32, #tpu.memory_space<hbm>> -> memref<10240xf32, #tpu.memory_space<hbm>>
      tpu.enqueue_dma source(%arg9 : memref<10240xf32, #tpu.memory_space<vmem>>) target(%dma_start3A_19 : memref<10240xf32, #tpu.memory_space<hbm>>) target_semaphore(%run_scoped3A : memref<!tpu.dma_semaphore, #tpu.memory_space<semaphore_mem>>)
      %dma_wait3A = arith.constant 0 : i32
      %dma_wait3A_20 = tpu.memref_slice %arg5[%add3A, %dma_wait3A] : memref<32x10240xf32, #tpu.memory_space<hbm>> -> memref<1x10240xf32, #tpu.memory_space<hbm>>
      %dma_wait3A_21 = tpu.memref_squeeze %dma_wait3A_20 : memref<1x10240xf32, #tpu.memory_space<hbm>> -> memref<10240xf32, #tpu.memory_space<hbm>>
      %dma_wait3A_22 = arith.constant 0 : i32
      %dma_wait3A_23 = tpu.memref_slice %arg5[%add3A, %dma_wait3A_22] : memref<32x10240xf32, #tpu.memory_space<hbm>> -> memref<1x10240xf32, #tpu.memory_space<hbm>>
      %dma_wait3A_24 = tpu.memref_squeeze %dma_wait3A_23 : memref<1x10240xf32, #tpu.memory_space<hbm>> -> memref<10240xf32, #tpu.memory_space<hbm>>
      tpu.wait_dma2 semaphore(%run_scoped3A : memref<!tpu.dma_semaphore, #tpu.memory_space<semaphore_mem>>) src(%arg9 : memref<10240xf32, #tpu.memory_space<vmem>>) dst(%dma_wait3A_24 : memref<10240xf32, #tpu.memory_space<hbm>>)
      tpu.yield
    }) : () -> ()
    return
  }
}

#map = affine_map<(d0, d1) -> (0, 0)>
#map1 = affine_map<(d0, d1) -> (0, 0, 0)>
module attributes {stable_mosaic.version = 14 : i64} {
  func.func @spmm_kernel(%arg0: i32, %arg1: i32, %arg2: memref<10240x128xf32, #tpu.memory_space<hbm>>, %arg3: memref<32x79x128xi32, #tpu.memory_space<hbm>>, %arg4: memref<32x79x128xi32, #tpu.memory_space<hbm>>, %arg5: memref<10240x128xf32, #tpu.memory_space<hbm>>, %arg6: memref<2x10240x128xf32, #tpu.memory_space<hbm>>, %arg7: memref<79x128xi32, #tpu.memory_space<vmem>>, %arg8: memref<79x128xi32, #tpu.memory_space<vmem>>, %arg9: memref<128x128xf32, #tpu.memory_space<vmem>>, %arg10: memref<10240x128xf32, #tpu.memory_space<vmem_shared>>, %arg11: memref<!tpu.dma_semaphore, #tpu.memory_space<semaphore_mem>>) attributes {dimension_semantics = [#tpu.dimension_semantics<core_parallel>, #tpu.dimension_semantics<subcore_parallel>], iteration_bounds = array<i64: 2, 16>, scalar_prefetch = 0 : i64, scratch_operands = 5 : i64, tpu.core_type = #tpu.core_type<sc_vector_subcore>, window_params = [{transform_indices = #map}, {transform_indices = #map1}, {transform_indices = #map1}, {transform_indices = #map}, {transform_indices = #map1}]} {
    %mul3A = arith.constant 2 : i32
    %mul3A_0 = arith.muli %arg1, %mul3A : i32
    %add3A = arith.addi %mul3A_0, %arg0 : i32
    "tpu.region"() ({
      %run_scoped3A = tpu.sem_alloc : memref<!tpu.dma_semaphore, #tpu.memory_space<semaphore_mem>>
      %dma_start3A = arith.constant 0 : i32
      %dma_start3A_9 = arith.constant 0 : i32
      %dma_start3A_10 = tpu.memref_slice %arg3[%add3A, %dma_start3A, %dma_start3A_9] : memref<32x79x128xi32, #tpu.memory_space<hbm>> -> memref<1x79x128xi32, #tpu.memory_space<hbm>>
      %dma_start3A_11 = tpu.memref_squeeze %dma_start3A_10 : memref<1x79x128xi32, #tpu.memory_space<hbm>> -> memref<79x128xi32, #tpu.memory_space<hbm>>
      %dma_start3A_12 = arith.constant 0 : i32
      %dma_start3A_13 = arith.constant 0 : i32
      %dma_start3A_14 = tpu.memref_slice %arg3[%add3A, %dma_start3A_12, %dma_start3A_13] : memref<32x79x128xi32, #tpu.memory_space<hbm>> -> memref<1x79x128xi32, #tpu.memory_space<hbm>>
      %dma_start3A_15 = tpu.memref_squeeze %dma_start3A_14 : memref<1x79x128xi32, #tpu.memory_space<hbm>> -> memref<79x128xi32, #tpu.memory_space<hbm>>
      tpu.enqueue_dma source(%dma_start3A_15 : memref<79x128xi32, #tpu.memory_space<hbm>>) target(%arg7 : memref<79x128xi32, #tpu.memory_space<vmem>>) target_semaphore(%run_scoped3A : memref<!tpu.dma_semaphore, #tpu.memory_space<semaphore_mem>>)
      %dma_wait3A = arith.constant 0 : i32
      %dma_wait3A_16 = arith.constant 0 : i32
      %dma_wait3A_17 = tpu.memref_slice %arg3[%add3A, %dma_wait3A, %dma_wait3A_16] : memref<32x79x128xi32, #tpu.memory_space<hbm>> -> memref<1x79x128xi32, #tpu.memory_space<hbm>>
      %dma_wait3A_18 = tpu.memref_squeeze %dma_wait3A_17 : memref<1x79x128xi32, #tpu.memory_space<hbm>> -> memref<79x128xi32, #tpu.memory_space<hbm>>
      %dma_wait3A_19 = arith.constant 0 : i32
      %dma_wait3A_20 = arith.constant 0 : i32
      %dma_wait3A_21 = tpu.memref_slice %arg3[%add3A, %dma_wait3A_19, %dma_wait3A_20] : memref<32x79x128xi32, #tpu.memory_space<hbm>> -> memref<1x79x128xi32, #tpu.memory_space<hbm>>
      %dma_wait3A_22 = tpu.memref_squeeze %dma_wait3A_21 : memref<1x79x128xi32, #tpu.memory_space<hbm>> -> memref<79x128xi32, #tpu.memory_space<hbm>>
      tpu.wait_dma2 semaphore(%run_scoped3A : memref<!tpu.dma_semaphore, #tpu.memory_space<semaphore_mem>>) src(%dma_wait3A_22 : memref<79x128xi32, #tpu.memory_space<hbm>>) dst(%arg7 : memref<79x128xi32, #tpu.memory_space<vmem>>)
      tpu.yield
    }) : () -> ()
    "tpu.region"() ({
      %run_scoped3A = tpu.sem_alloc : memref<!tpu.dma_semaphore, #tpu.memory_space<semaphore_mem>>
      %dma_start3A = arith.constant 0 : i32
      %dma_start3A_9 = arith.constant 0 : i32
      %dma_start3A_10 = tpu.memref_slice %arg4[%add3A, %dma_start3A, %dma_start3A_9] : memref<32x79x128xi32, #tpu.memory_space<hbm>> -> memref<1x79x128xi32, #tpu.memory_space<hbm>>
      %dma_start3A_11 = tpu.memref_squeeze %dma_start3A_10 : memref<1x79x128xi32, #tpu.memory_space<hbm>> -> memref<79x128xi32, #tpu.memory_space<hbm>>
      %dma_start3A_12 = arith.constant 0 : i32
      %dma_start3A_13 = arith.constant 0 : i32
      %dma_start3A_14 = tpu.memref_slice %arg4[%add3A, %dma_start3A_12, %dma_start3A_13] : memref<32x79x128xi32, #tpu.memory_space<hbm>> -> memref<1x79x128xi32, #tpu.memory_space<hbm>>
      %dma_start3A_15 = tpu.memref_squeeze %dma_start3A_14 : memref<1x79x128xi32, #tpu.memory_space<hbm>> -> memref<79x128xi32, #tpu.memory_space<hbm>>
      tpu.enqueue_dma source(%dma_start3A_15 : memref<79x128xi32, #tpu.memory_space<hbm>>) target(%arg8 : memref<79x128xi32, #tpu.memory_space<vmem>>) target_semaphore(%run_scoped3A : memref<!tpu.dma_semaphore, #tpu.memory_space<semaphore_mem>>)
      %dma_wait3A = arith.constant 0 : i32
      %dma_wait3A_16 = arith.constant 0 : i32
      %dma_wait3A_17 = tpu.memref_slice %arg4[%add3A, %dma_wait3A, %dma_wait3A_16] : memref<32x79x128xi32, #tpu.memory_space<hbm>> -> memref<1x79x128xi32, #tpu.memory_space<hbm>>
      %dma_wait3A_18 = tpu.memref_squeeze %dma_wait3A_17 : memref<1x79x128xi32, #tpu.memory_space<hbm>> -> memref<79x128xi32, #tpu.memory_space<hbm>>
      %dma_wait3A_19 = arith.constant 0 : i32
      %dma_wait3A_20 = arith.constant 0 : i32
      %dma_wait3A_21 = tpu.memref_slice %arg4[%add3A, %dma_wait3A_19, %dma_wait3A_20] : memref<32x79x128xi32, #tpu.memory_space<hbm>> -> memref<1x79x128xi32, #tpu.memory_space<hbm>>
      %dma_wait3A_22 = tpu.memref_squeeze %dma_wait3A_21 : memref<1x79x128xi32, #tpu.memory_space<hbm>> -> memref<79x128xi32, #tpu.memory_space<hbm>>
      tpu.wait_dma2 semaphore(%run_scoped3A : memref<!tpu.dma_semaphore, #tpu.memory_space<semaphore_mem>>) src(%dma_wait3A_22 : memref<79x128xi32, #tpu.memory_space<hbm>>) dst(%arg8 : memref<79x128xi32, #tpu.memory_space<vmem>>)
      tpu.yield
    }) : () -> ()
    %mul3A_1 = arith.constant 640 : i32
    %mul3A_2 = arith.muli %arg1, %mul3A_1 : i32
    %multiple_of3A = tpu.assume_multiple %mul3A_2, 8 : i32
    "tpu.region"() ({
      %run_scoped3A = tpu.sem_alloc : memref<!tpu.dma_semaphore, #tpu.memory_space<semaphore_mem>>
      %dma_start3A = arith.constant 0 : i32
      %dma_start3A_9 = tpu.memref_slice %arg10[%multiple_of3A, %dma_start3A] : memref<10240x128xf32, #tpu.memory_space<vmem_shared>> -> memref<640x128xf32, #tpu.memory_space<vmem_shared>>
      %dma_start3A_10 = arith.constant 0 : i32
      %dma_start3A_11 = tpu.memref_slice %arg5[%multiple_of3A, %dma_start3A_10] : memref<10240x128xf32, #tpu.memory_space<hbm>> -> memref<640x128xf32, #tpu.memory_space<hbm>>
      tpu.enqueue_dma source(%dma_start3A_11 : memref<640x128xf32, #tpu.memory_space<hbm>>) target(%dma_start3A_9 : memref<640x128xf32, #tpu.memory_space<vmem_shared>>) target_semaphore(%run_scoped3A : memref<!tpu.dma_semaphore, #tpu.memory_space<semaphore_mem>>)
      %dma_wait3A = arith.constant 0 : i32
      %dma_wait3A_12 = tpu.memref_slice %arg10[%multiple_of3A, %dma_wait3A] : memref<10240x128xf32, #tpu.memory_space<vmem_shared>> -> memref<640x128xf32, #tpu.memory_space<vmem_shared>>
      %dma_wait3A_13 = arith.constant 0 : i32
      %dma_wait3A_14 = tpu.memref_slice %arg5[%multiple_of3A, %dma_wait3A_13] : memref<10240x128xf32, #tpu.memory_space<hbm>> -> memref<640x128xf32, #tpu.memory_space<hbm>>
      tpu.wait_dma2 semaphore(%run_scoped3A : memref<!tpu.dma_semaphore, #tpu.memory_space<semaphore_mem>>) src(%dma_wait3A_14 : memref<640x128xf32, #tpu.memory_space<hbm>>) dst(%dma_wait3A_12 : memref<640x128xf32, #tpu.memory_space<vmem_shared>>)
      tpu.yield
    }) : () -> ()
    %barrier3A = arith.constant 0 : index
    tpu.barrier barrier_id(%barrier3A)
    %scan3A = arith.constant 0 : i32
    %scan3A_3 = arith.constant 0 : i32
    %scan3A_4 = arith.constant 79 : i32
    %scan3A_5 = arith.addi %scan3A_3, %scan3A_4 : i32
    %scan3A_6 = arith.constant 1 : i32
    scf.for %scan3A_9 = %scan3A_3 to %scan3A_5 step %scan3A_6  : i32 {
      %dma_start3A = arith.constant 0 : i32
      %dma_start3A_10 = tpu.memref_slice %arg7[%scan3A_9, %dma_start3A] : memref<79x128xi32, #tpu.memory_space<vmem>> -> memref<1x128xi32, #tpu.memory_space<vmem>>
      %dma_start3A_11 = tpu.memref_squeeze %dma_start3A_10 : memref<1x128xi32, #tpu.memory_space<vmem>> -> memref<128xi32, #tpu.memory_space<vmem>>
      %dma_start3A_12 = arith.constant 0 : i32
      %dma_start3A_13 = arith.constant 0 : i32
      %dma_start3A_14 = tpu.memref_slice %arg2[%dma_start3A_12, %dma_start3A_13] : memref<10240x128xf32, #tpu.memory_space<hbm>> -> memref<10240x128xf32, #tpu.memory_space<hbm>>
      tpu.enqueue_indirect_dma source(%dma_start3A_14 : memref<10240x128xf32, #tpu.memory_space<hbm>>) target(%arg9 : memref<128x128xf32, #tpu.memory_space<vmem>>) offsets(%dma_start3A_11 : memref<128xi32, #tpu.memory_space<vmem>>) semaphore(%arg11 : memref<!tpu.dma_semaphore, #tpu.memory_space<semaphore_mem>>)
      %dma_wait3A = arith.constant 0 : i32
      %dma_wait3A_15 = tpu.memref_slice %arg7[%scan3A_9, %dma_wait3A] : memref<79x128xi32, #tpu.memory_space<vmem>> -> memref<1x128xi32, #tpu.memory_space<vmem>>
      %dma_wait3A_16 = tpu.memref_squeeze %dma_wait3A_15 : memref<1x128xi32, #tpu.memory_space<vmem>> -> memref<128xi32, #tpu.memory_space<vmem>>
      %dma_wait3A_17 = arith.constant 0 : i32
      %dma_wait3A_18 = arith.constant 0 : i32
      %dma_wait3A_19 = tpu.memref_slice %arg2[%dma_wait3A_17, %dma_wait3A_18] : memref<10240x128xf32, #tpu.memory_space<hbm>> -> memref<10240x128xf32, #tpu.memory_space<hbm>>
      tpu.wait_indirect_dma semaphore(%arg11 : memref<!tpu.dma_semaphore, #tpu.memory_space<semaphore_mem>>) src(%dma_wait3A_19 : memref<10240x128xf32, #tpu.memory_space<hbm>>) dst(%arg9 : memref<128x128xf32, #tpu.memory_space<vmem>>)
      "tpu.region"() ({
        %run_scoped3A = tpu.sem_alloc : memref<!tpu.dma_semaphore, #tpu.memory_space<semaphore_mem>>
        %dma_start3A_20 = arith.constant 0 : i32
        %dma_start3A_21 = tpu.memref_slice %arg8[%scan3A_9, %dma_start3A_20] : memref<79x128xi32, #tpu.memory_space<vmem>> -> memref<1x128xi32, #tpu.memory_space<vmem>>
        %dma_start3A_22 = tpu.memref_squeeze %dma_start3A_21 : memref<1x128xi32, #tpu.memory_space<vmem>> -> memref<128xi32, #tpu.memory_space<vmem>>
        %dma_start3A_23 = arith.constant 0 : i32
        %dma_start3A_24 = arith.constant 0 : i32
        %dma_start3A_25 = tpu.memref_slice %arg10[%dma_start3A_23, %dma_start3A_24] : memref<10240x128xf32, #tpu.memory_space<vmem_shared>> -> memref<10240x128xf32, #tpu.memory_space<vmem_shared>>
        tpu.enqueue_indirect_dma source(%arg9 : memref<128x128xf32, #tpu.memory_space<vmem>>) target(%dma_start3A_25 : memref<10240x128xf32, #tpu.memory_space<vmem_shared>>) offsets(%dma_start3A_22 : memref<128xi32, #tpu.memory_space<vmem>>) semaphore(%run_scoped3A : memref<!tpu.dma_semaphore, #tpu.memory_space<semaphore_mem>>) {add = true}
        %dma_wait3A_26 = arith.constant 0 : i32
        %dma_wait3A_27 = tpu.memref_slice %arg8[%scan3A_9, %dma_wait3A_26] : memref<79x128xi32, #tpu.memory_space<vmem>> -> memref<1x128xi32, #tpu.memory_space<vmem>>
        %dma_wait3A_28 = tpu.memref_squeeze %dma_wait3A_27 : memref<1x128xi32, #tpu.memory_space<vmem>> -> memref<128xi32, #tpu.memory_space<vmem>>
        %dma_wait3A_29 = arith.constant 0 : i32
        %dma_wait3A_30 = arith.constant 0 : i32
        %dma_wait3A_31 = tpu.memref_slice %arg10[%dma_wait3A_29, %dma_wait3A_30] : memref<10240x128xf32, #tpu.memory_space<vmem_shared>> -> memref<10240x128xf32, #tpu.memory_space<vmem_shared>>
        tpu.wait_indirect_dma semaphore(%run_scoped3A : memref<!tpu.dma_semaphore, #tpu.memory_space<semaphore_mem>>) src(%arg9 : memref<128x128xf32, #tpu.memory_space<vmem>>) dst(%dma_wait3A_31 : memref<10240x128xf32, #tpu.memory_space<vmem_shared>>)
        tpu.yield
      }) : () -> ()
    }
    %scan3A_7 = arith.constant 79 : i32
    %barrier3A_8 = arith.constant 0 : index
    tpu.barrier barrier_id(%barrier3A_8)
    "tpu.region"() ({
      %run_scoped3A = tpu.sem_alloc : memref<!tpu.dma_semaphore, #tpu.memory_space<semaphore_mem>>
      %dma_start3A = arith.constant 0 : i32
      %dma_start3A_9 = tpu.memref_slice %arg6[%arg0, %multiple_of3A, %dma_start3A] : memref<2x10240x128xf32, #tpu.memory_space<hbm>> -> memref<1x640x128xf32, #tpu.memory_space<hbm>>
      %dma_start3A_10 = tpu.memref_squeeze %dma_start3A_9 : memref<1x640x128xf32, #tpu.memory_space<hbm>> -> memref<640x128xf32, #tpu.memory_space<hbm>>
      %dma_start3A_11 = arith.constant 0 : i32
      %dma_start3A_12 = tpu.memref_slice %arg10[%multiple_of3A, %dma_start3A_11] : memref<10240x128xf32, #tpu.memory_space<vmem_shared>> -> memref<640x128xf32, #tpu.memory_space<vmem_shared>>
      tpu.enqueue_dma source(%dma_start3A_12 : memref<640x128xf32, #tpu.memory_space<vmem_shared>>) target(%dma_start3A_10 : memref<640x128xf32, #tpu.memory_space<hbm>>) target_semaphore(%run_scoped3A : memref<!tpu.dma_semaphore, #tpu.memory_space<semaphore_mem>>)
      %dma_wait3A = arith.constant 0 : i32
      %dma_wait3A_13 = tpu.memref_slice %arg6[%arg0, %multiple_of3A, %dma_wait3A] : memref<2x10240x128xf32, #tpu.memory_space<hbm>> -> memref<1x640x128xf32, #tpu.memory_space<hbm>>
      %dma_wait3A_14 = tpu.memref_squeeze %dma_wait3A_13 : memref<1x640x128xf32, #tpu.memory_space<hbm>> -> memref<640x128xf32, #tpu.memory_space<hbm>>
      %dma_wait3A_15 = arith.constant 0 : i32
      %dma_wait3A_16 = tpu.memref_slice %arg10[%multiple_of3A, %dma_wait3A_15] : memref<10240x128xf32, #tpu.memory_space<vmem_shared>> -> memref<640x128xf32, #tpu.memory_space<vmem_shared>>
      tpu.wait_dma2 semaphore(%run_scoped3A : memref<!tpu.dma_semaphore, #tpu.memory_space<semaphore_mem>>) src(%dma_wait3A_16 : memref<640x128xf32, #tpu.memory_space<vmem_shared>>) dst(%dma_wait3A_14 : memref<640x128xf32, #tpu.memory_space<hbm>>)
      tpu.yield
    }) : () -> ()
    return
  }
}

#map = affine_map<(d0, d1) -> (0, 0)>
#map1 = affine_map<(d0, d1) -> (0, 0, 0)>
module attributes {stable_mosaic.version = 14 : i64} {
  func.func @spmm_kernel(%arg0: i32, %arg1: i32, %arg2: memref<10240x128xf32, #tpu.memory_space<hbm>>, %arg3: memref<32x79x128xi32, #tpu.memory_space<hbm>>, %arg4: memref<32x79x128xi32, #tpu.memory_space<hbm>>, %arg5: memref<10240x128xf32, #tpu.memory_space<hbm>>, %arg6: memref<2x10240x128xf32, #tpu.memory_space<hbm>>, %arg7: memref<79x128xi32, #tpu.memory_space<vmem>>, %arg8: memref<79x128xi32, #tpu.memory_space<vmem>>, %arg9: memref<128x128xf32, #tpu.memory_space<vmem>>, %arg10: memref<10240x128xf32, #tpu.memory_space<vmem_shared>>, %arg11: memref<!tpu.dma_semaphore, #tpu.memory_space<semaphore_mem>>) attributes {dimension_semantics = [#tpu.dimension_semantics<core_parallel>, #tpu.dimension_semantics<subcore_parallel>], iteration_bounds = array<i64: 2, 16>, scalar_prefetch = 0 : i64, scratch_operands = 5 : i64, tpu.core_type = #tpu.core_type<sc_vector_subcore>, window_params = [{transform_indices = #map}, {transform_indices = #map1}, {transform_indices = #map1}, {transform_indices = #map}, {transform_indices = #map1}]} {
    %mul3A = arith.constant 2 : i32
    %mul3A_0 = arith.muli %arg1, %mul3A : i32
    %add3A = arith.addi %mul3A_0, %arg0 : i32
    "tpu.region"() ({
      %run_scoped3A = tpu.sem_alloc : memref<!tpu.dma_semaphore, #tpu.memory_space<semaphore_mem>>
      %dma_start3A = arith.constant 0 : i32
      %dma_start3A_9 = arith.constant 0 : i32
      %dma_start3A_10 = tpu.memref_slice %arg3[%add3A, %dma_start3A, %dma_start3A_9] : memref<32x79x128xi32, #tpu.memory_space<hbm>> -> memref<1x79x128xi32, #tpu.memory_space<hbm>>
      %dma_start3A_11 = tpu.memref_squeeze %dma_start3A_10 : memref<1x79x128xi32, #tpu.memory_space<hbm>> -> memref<79x128xi32, #tpu.memory_space<hbm>>
      %dma_start3A_12 = arith.constant 0 : i32
      %dma_start3A_13 = arith.constant 0 : i32
      %dma_start3A_14 = tpu.memref_slice %arg3[%add3A, %dma_start3A_12, %dma_start3A_13] : memref<32x79x128xi32, #tpu.memory_space<hbm>> -> memref<1x79x128xi32, #tpu.memory_space<hbm>>
      %dma_start3A_15 = tpu.memref_squeeze %dma_start3A_14 : memref<1x79x128xi32, #tpu.memory_space<hbm>> -> memref<79x128xi32, #tpu.memory_space<hbm>>
      tpu.enqueue_dma source(%dma_start3A_15 : memref<79x128xi32, #tpu.memory_space<hbm>>) target(%arg7 : memref<79x128xi32, #tpu.memory_space<vmem>>) target_semaphore(%run_scoped3A : memref<!tpu.dma_semaphore, #tpu.memory_space<semaphore_mem>>)
      %dma_wait3A = arith.constant 0 : i32
      %dma_wait3A_16 = arith.constant 0 : i32
      %dma_wait3A_17 = tpu.memref_slice %arg3[%add3A, %dma_wait3A, %dma_wait3A_16] : memref<32x79x128xi32, #tpu.memory_space<hbm>> -> memref<1x79x128xi32, #tpu.memory_space<hbm>>
      %dma_wait3A_18 = tpu.memref_squeeze %dma_wait3A_17 : memref<1x79x128xi32, #tpu.memory_space<hbm>> -> memref<79x128xi32, #tpu.memory_space<hbm>>
      %dma_wait3A_19 = arith.constant 0 : i32
      %dma_wait3A_20 = arith.constant 0 : i32
      %dma_wait3A_21 = tpu.memref_slice %arg3[%add3A, %dma_wait3A_19, %dma_wait3A_20] : memref<32x79x128xi32, #tpu.memory_space<hbm>> -> memref<1x79x128xi32, #tpu.memory_space<hbm>>
      %dma_wait3A_22 = tpu.memref_squeeze %dma_wait3A_21 : memref<1x79x128xi32, #tpu.memory_space<hbm>> -> memref<79x128xi32, #tpu.memory_space<hbm>>
      tpu.wait_dma2 semaphore(%run_scoped3A : memref<!tpu.dma_semaphore, #tpu.memory_space<semaphore_mem>>) src(%dma_wait3A_22 : memref<79x128xi32, #tpu.memory_space<hbm>>) dst(%arg7 : memref<79x128xi32, #tpu.memory_space<vmem>>)
      tpu.yield
    }) : () -> ()
    "tpu.region"() ({
      %run_scoped3A = tpu.sem_alloc : memref<!tpu.dma_semaphore, #tpu.memory_space<semaphore_mem>>
      %dma_start3A = arith.constant 0 : i32
      %dma_start3A_9 = arith.constant 0 : i32
      %dma_start3A_10 = tpu.memref_slice %arg4[%add3A, %dma_start3A, %dma_start3A_9] : memref<32x79x128xi32, #tpu.memory_space<hbm>> -> memref<1x79x128xi32, #tpu.memory_space<hbm>>
      %dma_start3A_11 = tpu.memref_squeeze %dma_start3A_10 : memref<1x79x128xi32, #tpu.memory_space<hbm>> -> memref<79x128xi32, #tpu.memory_space<hbm>>
      %dma_start3A_12 = arith.constant 0 : i32
      %dma_start3A_13 = arith.constant 0 : i32
      %dma_start3A_14 = tpu.memref_slice %arg4[%add3A, %dma_start3A_12, %dma_start3A_13] : memref<32x79x128xi32, #tpu.memory_space<hbm>> -> memref<1x79x128xi32, #tpu.memory_space<hbm>>
      %dma_start3A_15 = tpu.memref_squeeze %dma_start3A_14 : memref<1x79x128xi32, #tpu.memory_space<hbm>> -> memref<79x128xi32, #tpu.memory_space<hbm>>
      tpu.enqueue_dma source(%dma_start3A_15 : memref<79x128xi32, #tpu.memory_space<hbm>>) target(%arg8 : memref<79x128xi32, #tpu.memory_space<vmem>>) target_semaphore(%run_scoped3A : memref<!tpu.dma_semaphore, #tpu.memory_space<semaphore_mem>>)
      %dma_wait3A = arith.constant 0 : i32
      %dma_wait3A_16 = arith.constant 0 : i32
      %dma_wait3A_17 = tpu.memref_slice %arg4[%add3A, %dma_wait3A, %dma_wait3A_16] : memref<32x79x128xi32, #tpu.memory_space<hbm>> -> memref<1x79x128xi32, #tpu.memory_space<hbm>>
      %dma_wait3A_18 = tpu.memref_squeeze %dma_wait3A_17 : memref<1x79x128xi32, #tpu.memory_space<hbm>> -> memref<79x128xi32, #tpu.memory_space<hbm>>
      %dma_wait3A_19 = arith.constant 0 : i32
      %dma_wait3A_20 = arith.constant 0 : i32
      %dma_wait3A_21 = tpu.memref_slice %arg4[%add3A, %dma_wait3A_19, %dma_wait3A_20] : memref<32x79x128xi32, #tpu.memory_space<hbm>> -> memref<1x79x128xi32, #tpu.memory_space<hbm>>
      %dma_wait3A_22 = tpu.memref_squeeze %dma_wait3A_21 : memref<1x79x128xi32, #tpu.memory_space<hbm>> -> memref<79x128xi32, #tpu.memory_space<hbm>>
      tpu.wait_dma2 semaphore(%run_scoped3A : memref<!tpu.dma_semaphore, #tpu.memory_space<semaphore_mem>>) src(%dma_wait3A_22 : memref<79x128xi32, #tpu.memory_space<hbm>>) dst(%arg8 : memref<79x128xi32, #tpu.memory_space<vmem>>)
      tpu.yield
    }) : () -> ()
    %mul3A_1 = arith.constant 640 : i32
    %mul3A_2 = arith.muli %arg1, %mul3A_1 : i32
    %multiple_of3A = tpu.assume_multiple %mul3A_2, 8 : i32
    "tpu.region"() ({
      %run_scoped3A = tpu.sem_alloc : memref<!tpu.dma_semaphore, #tpu.memory_space<semaphore_mem>>
      %dma_start3A = arith.constant 0 : i32
      %dma_start3A_9 = tpu.memref_slice %arg10[%multiple_of3A, %dma_start3A] : memref<10240x128xf32, #tpu.memory_space<vmem_shared>> -> memref<640x128xf32, #tpu.memory_space<vmem_shared>>
      %dma_start3A_10 = arith.constant 0 : i32
      %dma_start3A_11 = tpu.memref_slice %arg5[%multiple_of3A, %dma_start3A_10] : memref<10240x128xf32, #tpu.memory_space<hbm>> -> memref<640x128xf32, #tpu.memory_space<hbm>>
      tpu.enqueue_dma source(%dma_start3A_11 : memref<640x128xf32, #tpu.memory_space<hbm>>) target(%dma_start3A_9 : memref<640x128xf32, #tpu.memory_space<vmem_shared>>) target_semaphore(%run_scoped3A : memref<!tpu.dma_semaphore, #tpu.memory_space<semaphore_mem>>)
      %dma_wait3A = arith.constant 0 : i32
      %dma_wait3A_12 = tpu.memref_slice %arg10[%multiple_of3A, %dma_wait3A] : memref<10240x128xf32, #tpu.memory_space<vmem_shared>> -> memref<640x128xf32, #tpu.memory_space<vmem_shared>>
      %dma_wait3A_13 = arith.constant 0 : i32
      %dma_wait3A_14 = tpu.memref_slice %arg5[%multiple_of3A, %dma_wait3A_13] : memref<10240x128xf32, #tpu.memory_space<hbm>> -> memref<640x128xf32, #tpu.memory_space<hbm>>
      tpu.wait_dma2 semaphore(%run_scoped3A : memref<!tpu.dma_semaphore, #tpu.memory_space<semaphore_mem>>) src(%dma_wait3A_14 : memref<640x128xf32, #tpu.memory_space<hbm>>) dst(%dma_wait3A_12 : memref<640x128xf32, #tpu.memory_space<vmem_shared>>)
      tpu.yield
    }) : () -> ()
    %barrier3A = arith.constant 0 : index
    tpu.barrier barrier_id(%barrier3A)
    %scan3A = arith.constant 0 : i32
    %scan3A_3 = arith.constant 0 : i32
    %scan3A_4 = arith.constant 79 : i32
    %scan3A_5 = arith.addi %scan3A_3, %scan3A_4 : i32
    %scan3A_6 = arith.constant 1 : i32
    scf.for %scan3A_9 = %scan3A_3 to %scan3A_5 step %scan3A_6  : i32 {
      %dma_start3A = arith.constant 0 : i32
      %dma_start3A_10 = tpu.memref_slice %arg7[%scan3A_9, %dma_start3A] : memref<79x128xi32, #tpu.memory_space<vmem>> -> memref<1x128xi32, #tpu.memory_space<vmem>>
      %dma_start3A_11 = tpu.memref_squeeze %dma_start3A_10 : memref<1x128xi32, #tpu.memory_space<vmem>> -> memref<128xi32, #tpu.memory_space<vmem>>
      %dma_start3A_12 = arith.constant 0 : i32
      %dma_start3A_13 = arith.constant 0 : i32
      %dma_start3A_14 = tpu.memref_slice %arg2[%dma_start3A_12, %dma_start3A_13] : memref<10240x128xf32, #tpu.memory_space<hbm>> -> memref<10240x128xf32, #tpu.memory_space<hbm>>
      tpu.enqueue_indirect_dma source(%dma_start3A_14 : memref<10240x128xf32, #tpu.memory_space<hbm>>) target(%arg9 : memref<128x128xf32, #tpu.memory_space<vmem>>) offsets(%dma_start3A_11 : memref<128xi32, #tpu.memory_space<vmem>>) semaphore(%arg11 : memref<!tpu.dma_semaphore, #tpu.memory_space<semaphore_mem>>)
      %dma_wait3A = arith.constant 0 : i32
      %dma_wait3A_15 = tpu.memref_slice %arg7[%scan3A_9, %dma_wait3A] : memref<79x128xi32, #tpu.memory_space<vmem>> -> memref<1x128xi32, #tpu.memory_space<vmem>>
      %dma_wait3A_16 = tpu.memref_squeeze %dma_wait3A_15 : memref<1x128xi32, #tpu.memory_space<vmem>> -> memref<128xi32, #tpu.memory_space<vmem>>
      %dma_wait3A_17 = arith.constant 0 : i32
      %dma_wait3A_18 = arith.constant 0 : i32
      %dma_wait3A_19 = tpu.memref_slice %arg2[%dma_wait3A_17, %dma_wait3A_18] : memref<10240x128xf32, #tpu.memory_space<hbm>> -> memref<10240x128xf32, #tpu.memory_space<hbm>>
      tpu.wait_indirect_dma semaphore(%arg11 : memref<!tpu.dma_semaphore, #tpu.memory_space<semaphore_mem>>) src(%dma_wait3A_19 : memref<10240x128xf32, #tpu.memory_space<hbm>>) dst(%arg9 : memref<128x128xf32, #tpu.memory_space<vmem>>)
      "tpu.region"() ({
        %run_scoped3A = tpu.sem_alloc : memref<!tpu.dma_semaphore, #tpu.memory_space<semaphore_mem>>
        %dma_start3A_20 = arith.constant 0 : i32
        %dma_start3A_21 = tpu.memref_slice %arg8[%scan3A_9, %dma_start3A_20] : memref<79x128xi32, #tpu.memory_space<vmem>> -> memref<1x128xi32, #tpu.memory_space<vmem>>
        %dma_start3A_22 = tpu.memref_squeeze %dma_start3A_21 : memref<1x128xi32, #tpu.memory_space<vmem>> -> memref<128xi32, #tpu.memory_space<vmem>>
        %dma_start3A_23 = arith.constant 0 : i32
        %dma_start3A_24 = arith.constant 0 : i32
        %dma_start3A_25 = tpu.memref_slice %arg10[%dma_start3A_23, %dma_start3A_24] : memref<10240x128xf32, #tpu.memory_space<vmem_shared>> -> memref<10240x128xf32, #tpu.memory_space<vmem_shared>>
        tpu.enqueue_indirect_dma source(%arg9 : memref<128x128xf32, #tpu.memory_space<vmem>>) target(%dma_start3A_25 : memref<10240x128xf32, #tpu.memory_space<vmem_shared>>) offsets(%dma_start3A_22 : memref<128xi32, #tpu.memory_space<vmem>>) semaphore(%run_scoped3A : memref<!tpu.dma_semaphore, #tpu.memory_space<semaphore_mem>>) {add = true}
        %dma_wait3A_26 = arith.constant 0 : i32
        %dma_wait3A_27 = tpu.memref_slice %arg8[%scan3A_9, %dma_wait3A_26] : memref<79x128xi32, #tpu.memory_space<vmem>> -> memref<1x128xi32, #tpu.memory_space<vmem>>
        %dma_wait3A_28 = tpu.memref_squeeze %dma_wait3A_27 : memref<1x128xi32, #tpu.memory_space<vmem>> -> memref<128xi32, #tpu.memory_space<vmem>>
        %dma_wait3A_29 = arith.constant 0 : i32
        %dma_wait3A_30 = arith.constant 0 : i32
        %dma_wait3A_31 = tpu.memref_slice %arg10[%dma_wait3A_29, %dma_wait3A_30] : memref<10240x128xf32, #tpu.memory_space<vmem_shared>> -> memref<10240x128xf32, #tpu.memory_space<vmem_shared>>
        tpu.wait_indirect_dma semaphore(%run_scoped3A : memref<!tpu.dma_semaphore, #tpu.memory_space<semaphore_mem>>) src(%arg9 : memref<128x128xf32, #tpu.memory_space<vmem>>) dst(%dma_wait3A_31 : memref<10240x128xf32, #tpu.memory_space<vmem_shared>>)
        tpu.yield
      }) : () -> ()
    }
    %scan3A_7 = arith.constant 79 : i32
    %barrier3A_8 = arith.constant 0 : index
    tpu.barrier barrier_id(%barrier3A_8)
    "tpu.region"() ({
      %run_scoped3A = tpu.sem_alloc : memref<!tpu.dma_semaphore, #tpu.memory_space<semaphore_mem>>
      %dma_start3A = arith.constant 0 : i32
      %dma_start3A_9 = tpu.memref_slice %arg6[%arg0, %multiple_of3A, %dma_start3A] : memref<2x10240x128xf32, #tpu.memory_space<hbm>> -> memref<1x640x128xf32, #tpu.memory_space<hbm>>
      %dma_start3A_10 = tpu.memref_squeeze %dma_start3A_9 : memref<1x640x128xf32, #tpu.memory_space<hbm>> -> memref<640x128xf32, #tpu.memory_space<hbm>>
      %dma_start3A_11 = arith.constant 0 : i32
      %dma_start3A_12 = tpu.memref_slice %arg10[%multiple_of3A, %dma_start3A_11] : memref<10240x128xf32, #tpu.memory_space<vmem_shared>> -> memref<640x128xf32, #tpu.memory_space<vmem_shared>>
      tpu.enqueue_dma source(%dma_start3A_12 : memref<640x128xf32, #tpu.memory_space<vmem_shared>>) target(%dma_start3A_10 : memref<640x128xf32, #tpu.memory_space<hbm>>) target_semaphore(%run_scoped3A : memref<!tpu.dma_semaphore, #tpu.memory_space<semaphore_mem>>)
      %dma_wait3A = arith.constant 0 : i32
      %dma_wait3A_13 = tpu.memref_slice %arg6[%arg0, %multiple_of3A, %dma_wait3A] : memref<2x10240x128xf32, #tpu.memory_space<hbm>> -> memref<1x640x128xf32, #tpu.memory_space<hbm>>
      %dma_wait3A_14 = tpu.memref_squeeze %dma_wait3A_13 : memref<1x640x128xf32, #tpu.memory_space<hbm>> -> memref<640x128xf32, #tpu.memory_space<hbm>>
      %dma_wait3A_15 = arith.constant 0 : i32
      %dma_wait3A_16 = tpu.memref_slice %arg10[%multiple_of3A, %dma_wait3A_15] : memref<10240x128xf32, #tpu.memory_space<vmem_shared>> -> memref<640x128xf32, #tpu.memory_space<vmem_shared>>
      tpu.wait_dma2 semaphore(%run_scoped3A : memref<!tpu.dma_semaphore, #tpu.memory_space<semaphore_mem>>) src(%dma_wait3A_16 : memref<640x128xf32, #tpu.memory_space<vmem_shared>>) dst(%dma_wait3A_14 : memref<640x128xf32, #tpu.memory_space<hbm>>)
      tpu.yield
    }) : () -> ()
    return
  }
}

module attributes {stable_mosaic.version = 14 : i64} {
  func.func @body(%arg0: memref<32x10240xf32, #tpu.memory_space<vmem>>, %arg1: memref<32x10240xf32, #tpu.memory_space<vmem>>, %arg2: memref<1x10240xf32, #tpu.memory_space<vmem>>, %arg3: memref<1x10240xf32, #tpu.memory_space<vmem>>) attributes {dimension_semantics = [], scalar_prefetch = 0 : i64, scratch_operands = 0 : i64, tpu.core_type = #tpu.core_type<tc>} {
    %get3A = arith.constant 0 : index
    %get3A_0 = arith.constant 0 : index
    %get3A_1 = vector.load %arg0[%get3A, %get3A_0] : memref<32x10240xf32, #tpu.memory_space<vmem>>, vector<32x10240xf32>
    %reduce_sum3A = arith.constant dense<0.000000e+00> : vector<10240xf32>
    %reduce_sum3A_2 = vector.multi_reduction <add>, %get3A_1, %reduce_sum3A [0] : vector<32x10240xf32> to vector<10240xf32>
    %broadcast_in_dim3A = vector.shape_cast %reduce_sum3A_2 : vector<10240xf32> to vector<1x10240xf32>
    %get3A_3 = arith.constant 0 : index
    %get3A_4 = arith.constant 0 : index
    %get3A_5 = vector.load %arg1[%get3A_3, %get3A_4] : memref<32x10240xf32, #tpu.memory_space<vmem>>, vector<32x10240xf32>
    %reduce_sum3A_6 = arith.constant dense<0.000000e+00> : vector<10240xf32>
    %reduce_sum3A_7 = vector.multi_reduction <add>, %get3A_5, %reduce_sum3A_6 [0] : vector<32x10240xf32> to vector<10240xf32>
    %broadcast_in_dim3A_8 = vector.shape_cast %reduce_sum3A_7 : vector<10240xf32> to vector<1x10240xf32>
    %max3A = arith.constant 1.000000e+00 : f32
    %max3A_9 = vector.broadcast %max3A : f32 to vector<1x10240xf32>
    %max3A_10 = arith.maximumf %broadcast_in_dim3A, %max3A_9 : vector<1x10240xf32>
    %rsqrt3A = math.rsqrt %max3A_10 : vector<1x10240xf32>
    %swap3A = arith.constant 0 : index
    %swap3A_11 = arith.constant 0 : index
    %swap3A_12 = vector.load %arg2[%swap3A, %swap3A_11] : memref<1x10240xf32, #tpu.memory_space<vmem>>, vector<1x10240xf32>
    tpu.vector_store %arg2[%swap3A, %swap3A_11], %rsqrt3A {strides = array<i32>} : memref<1x10240xf32, #tpu.memory_space<vmem>>, vector<1x10240xf32>,
    %max3A_13 = arith.constant 1.000000e+00 : f32
    %max3A_14 = vector.broadcast %max3A_13 : f32 to vector<1x10240xf32>
    %max3A_15 = arith.maximumf %broadcast_in_dim3A_8, %max3A_14 : vector<1x10240xf32>
    %rsqrt3A_16 = math.rsqrt %max3A_15 : vector<1x10240xf32>
    %swap3A_17 = arith.constant 0 : index
    %swap3A_18 = arith.constant 0 : index
    %swap3A_19 = vector.load %arg3[%swap3A_17, %swap3A_18] : memref<1x10240xf32, #tpu.memory_space<vmem>>, vector<1x10240xf32>
    tpu.vector_store %arg3[%swap3A_17, %swap3A_18], %rsqrt3A_16 {strides = array<i32>} : memref<1x10240xf32, #tpu.memory_space<vmem>>, vector<1x10240xf32>,
    return
  }
}

module attributes {stable_mosaic.version = 14 : i64} {
  func.func @body(%arg0: i32, %arg1: memref<1024x128xf32, #tpu.memory_space<vmem>>, %arg2: memref<128x128xf32, #tpu.memory_space<vmem>>, %arg3: memref<1x128xf32, #tpu.memory_space<vmem>>, %arg4: memref<1024x1xf32, #tpu.memory_space<vmem>>, %arg5: memref<1024x128xf32, #tpu.memory_space<vmem>>) attributes {dimension_semantics = [#tpu.dimension_semantics<arbitrary>], iteration_bounds = array<i64: 10>, scalar_prefetch = 0 : i64, scratch_operands = 0 : i64, tpu.core_type = #tpu.core_type<tc>, window_params = [{transform_indices = @transform_0, window_bounds = array<i64: 1024, 128>}, {pipeline_mode = #tpu.pipeline_mode<synchronous>, transform_indices = @transform_1, window_bounds = array<i64: 128, 128>}, {pipeline_mode = #tpu.pipeline_mode<synchronous>, transform_indices = @transform_2, window_bounds = array<i64: 1, 128>}, {transform_indices = @transform_3, window_bounds = array<i64: 1024, 1>}, {transform_indices = @transform_4, window_bounds = array<i64: 1024, 128>}]} {
    %get3A = arith.constant 0 : index
    %get3A_0 = arith.constant 0 : index
    %get3A_1 = vector.load %arg1[%get3A, %get3A_0] : memref<1024x128xf32, #tpu.memory_space<vmem>>, vector<1024x128xf32>
    %get3A_2 = arith.constant 0 : index
    %get3A_3 = arith.constant 0 : index
    %get3A_4 = vector.load %arg2[%get3A_2, %get3A_3] : memref<128x128xf32, #tpu.memory_space<vmem>>, vector<128x128xf32>
    %dot_general3A = arith.constant dense<0.000000e+00> : vector<1024x128xf32>
    %dot_general3A_5 = tpu.matmul %get3A_1, %get3A_4, %dot_general3A {dimension_numbers = #tpu.dot_dimension_numbers<[1], [0], [0], [1], [0, 0, 1, 1], [], []>, precision = #tpu.contract_precision<fp32>, transpose_lhs_hint = false} : vector<1024x128xf32>, vector<128x128xf32>, vector<1024x128xf32> -> vector<1024x128xf32>
    %get3A_6 = arith.constant 0 : index
    %get3A_7 = arith.constant 0 : index
    %get3A_8 = vector.load %arg3[%get3A_6, %get3A_7] : memref<1x128xf32, #tpu.memory_space<vmem>>, vector<1x128xf32>
    %add3A = vector.broadcast %get3A_8 : vector<1x128xf32> to vector<1024x128xf32>
    %add3A_9 = arith.addf %dot_general3A_5, %add3A : vector<1024x128xf32>
    %logistic3A = arith.negf %add3A_9 : vector<1024x128xf32>
    %logistic3A_10 = math.exp %logistic3A : vector<1024x128xf32>
    %logistic3A_11 = arith.constant 1.000000e+00 : f32
    %logistic3A_12 = vector.broadcast %logistic3A_11 : f32 to vector<1024x128xf32>
    %logistic3A_13 = arith.addf %logistic3A_12, %logistic3A_10 : vector<1024x128xf32>
    %logistic3A_14 = arith.divf %logistic3A_12, %logistic3A_13 : vector<1024x128xf32>
    %mul3A = arith.mulf %add3A_9, %logistic3A_14 : vector<1024x128xf32>
    %get3A_15 = arith.constant 0 : index
    %get3A_16 = arith.constant 0 : index
    %get3A_17 = vector.load %arg4[%get3A_15, %get3A_16] : memref<1024x1xf32, #tpu.memory_space<vmem>>, vector<1024x1xf32>
    %mul3A_18 = vector.broadcast %get3A_17 : vector<1024x1xf32> to vector<1024x128xf32>
    %mul3A_19 = arith.mulf %mul3A, %mul3A_18 : vector<1024x128xf32>
    %mul3A_20 = arith.constant 1024 : i32
    %mul3A_21 = arith.muli %arg0, %mul3A_20 : i32
    %iota3A = tpu.iota {dimensions = array<i32: 0>} : vector<1024x1xi32>
    %add3A_22 = vector.broadcast %mul3A_21 : i32 to vector<1024x1xi32>
    %add3A_23 = arith.addi %add3A_22, %iota3A : vector<1024x1xi32>
    %lt3A = arith.constant 10000 : i32
    %lt3A_24 = vector.broadcast %lt3A : i32 to vector<1024x1xi32>
    %lt3A_25 = arith.cmpi slt, %add3A_23, %lt3A_24 : vector<1024x1xi32>
    %jit3A = arith.constant 0.000000e+00 : f32
    %broadcast_in_dim3A = vector.shape_cast %lt3A_25 : vector<1024x1xi1> to vector<1024x1xi1>
    %broadcast_in_dim3A_26 = vector.broadcast %broadcast_in_dim3A : vector<1024x1xi1> to vector<1024x128xi1>
    %broadcast_in_dim3A_27 = vector.broadcast %jit3A : f32 to vector<1024x128xf32>
    %select_n3A = arith.select %broadcast_in_dim3A_26, %mul3A_19, %broadcast_in_dim3A_27 : vector<1024x128xi1>, vector<1024x128xf32>
    %swap3A = arith.constant 0 : index
    %swap3A_28 = arith.constant 0 : index
    %swap3A_29 = vector.load %arg5[%swap3A, %swap3A_28] : memref<1024x128xf32, #tpu.memory_space<vmem>>, vector<1024x128xf32>
    tpu.vector_store %arg5[%swap3A, %swap3A_28], %select_n3A {strides = array<i32>} : memref<1024x128xf32, #tpu.memory_space<vmem>>, vector<1024x128xf32>,
    return
  }
  func.func @transform_0(%arg0: i32) -> (i32, i32) {
    %c0_i32 = arith.constant 0 : i32
    %c0_i32_0 = arith.constant 0 : i32
    return %arg0, %c0_i32 : i32, i32
  }
  func.func @transform_1(%arg0: i32) -> (i32, i32) {
    %c0_i32 = arith.constant 0 : i32
    %c0_i32_0 = arith.constant 0 : i32
    %c0_i32_1 = arith.constant 0 : i32
    return %c0_i32, %c0_i32_0 : i32, i32
  }
  func.func @transform_2(%arg0: i32) -> (i32, i32) {
    %c0_i32 = arith.constant 0 : i32
    %c0_i32_0 = arith.constant 0 : i32
    %c0_i32_1 = arith.constant 0 : i32
    return %c0_i32, %c0_i32_0 : i32, i32
  }
  func.func @transform_3(%arg0: i32) -> (i32, i32) {
    %c0_i32 = arith.constant 0 : i32
    %c0_i32_0 = arith.constant 0 : i32
    return %arg0, %c0_i32 : i32, i32
  }
  func.func @transform_4(%arg0: i32) -> (i32, i32) {
    %c0_i32 = arith.constant 0 : i32
    %c0_i32_0 = arith.constant 0 : i32
    return %arg0, %c0_i32 : i32, i32
  }
}

module attributes {stable_mosaic.version = 14 : i64} {
  func.func @body(%arg0: i32, %arg1: memref<2x1024x128xf32, #tpu.memory_space<vmem>>, %arg2: memref<1024x1xf32, #tpu.memory_space<vmem>>, %arg3: memref<128x128xf32, #tpu.memory_space<vmem>>, %arg4: memref<1x128xf32, #tpu.memory_space<vmem>>, %arg5: memref<128x128xf32, #tpu.memory_space<vmem>>, %arg6: memref<1x128xf32, #tpu.memory_space<vmem>>, %arg7: memref<128x1xf32, #tpu.memory_space<vmem>>, %arg8: memref<1x1xf32, #tpu.memory_space<vmem>>, %arg9: memref<1x1xf32, #tpu.memory_space<vmem>>, %arg10: memref<1x128xf32, #tpu.memory_space<vmem>>) attributes {dimension_semantics = [#tpu.dimension_semantics<arbitrary>], iteration_bounds = array<i64: 10>, scalar_prefetch = 0 : i64, scratch_operands = 1 : i64, tpu.core_type = #tpu.core_type<tc>, window_params = [{transform_indices = @transform_0, window_bounds = array<i64: 2, 1024, 128>}, {transform_indices = @transform_1, window_bounds = array<i64: 1024, 1>}, {pipeline_mode = #tpu.pipeline_mode<synchronous>, transform_indices = @transform_2, window_bounds = array<i64: 128, 128>}, {pipeline_mode = #tpu.pipeline_mode<synchronous>, transform_indices = @transform_3, window_bounds = array<i64: 1, 128>}, {pipeline_mode = #tpu.pipeline_mode<synchronous>, transform_indices = @transform_4, window_bounds = array<i64: 128, 128>}, {pipeline_mode = #tpu.pipeline_mode<synchronous>, transform_indices = @transform_5, window_bounds = array<i64: 1, 128>}, {pipeline_mode = #tpu.pipeline_mode<synchronous>, transform_indices = @transform_6, window_bounds = array<i64: 128, 1>}, {pipeline_mode = #tpu.pipeline_mode<synchronous>, transform_indices = @transform_7, window_bounds = array<i64: 1, 1>}, {pipeline_mode = #tpu.pipeline_mode<synchronous>, transform_indices = @transform_8, window_bounds = array<i64: 1, 1>}]} {
    %get3A = arith.constant 0 : index
    %get3A_0 = arith.constant 0 : index
    %get3A_1 = arith.constant 0 : index
    %get3A_2 = vector.load %arg1[%get3A, %get3A_0, %get3A_1] : memref<2x1024x128xf32, #tpu.memory_space<vmem>>, vector<1x1024x128xf32>
    %get3A_3 = vector.shape_cast %get3A_2 : vector<1x1024x128xf32> to vector<1024x128xf32>
    %get3A_4 = arith.constant 1 : index
    %get3A_5 = arith.constant 0 : index
    %get3A_6 = arith.constant 0 : index
    %get3A_7 = vector.load %arg1[%get3A_4, %get3A_5, %get3A_6] : memref<2x1024x128xf32, #tpu.memory_space<vmem>>, vector<1x1024x128xf32>
    %get3A_8 = vector.shape_cast %get3A_7 : vector<1x1024x128xf32> to vector<1024x128xf32>
    %add3A = arith.addf %get3A_3, %get3A_8 : vector<1024x128xf32>
    %get3A_9 = arith.constant 0 : index
    %get3A_10 = arith.constant 0 : index
    %get3A_11 = vector.load %arg2[%get3A_9, %get3A_10] : memref<1024x1xf32, #tpu.memory_space<vmem>>, vector<1024x1xf32>
    %mul3A = vector.broadcast %get3A_11 : vector<1024x1xf32> to vector<1024x128xf32>
    %mul3A_12 = arith.mulf %add3A, %mul3A : vector<1024x128xf32>
    %get3A_13 = arith.constant 0 : index
    %get3A_14 = arith.constant 0 : index
    %get3A_15 = vector.load %arg3[%get3A_13, %get3A_14] : memref<128x128xf32, #tpu.memory_space<vmem>>, vector<128x128xf32>
    %dot_general3A = arith.constant dense<0.000000e+00> : vector<1024x128xf32>
    %dot_general3A_16 = tpu.matmul %mul3A_12, %get3A_15, %dot_general3A {dimension_numbers = #tpu.dot_dimension_numbers<[1], [0], [0], [1], [0, 0, 1, 1], [], []>, precision = #tpu.contract_precision<fp32>, transpose_lhs_hint = false} : vector<1024x128xf32>, vector<128x128xf32>, vector<1024x128xf32> -> vector<1024x128xf32>
    %get3A_17 = arith.constant 0 : index
    %get3A_18 = arith.constant 0 : index
    %get3A_19 = vector.load %arg4[%get3A_17, %get3A_18] : memref<1x128xf32, #tpu.memory_space<vmem>>, vector<1x128xf32>
    %add3A_20 = vector.broadcast %get3A_19 : vector<1x128xf32> to vector<1024x128xf32>
    %add3A_21 = arith.addf %dot_general3A_16, %add3A_20 : vector<1024x128xf32>
    %logistic3A = arith.negf %add3A_21 : vector<1024x128xf32>
    %logistic3A_22 = math.exp %logistic3A : vector<1024x128xf32>
    %logistic3A_23 = arith.constant 1.000000e+00 : f32
    %logistic3A_24 = vector.broadcast %logistic3A_23 : f32 to vector<1024x128xf32>
    %logistic3A_25 = arith.addf %logistic3A_24, %logistic3A_22 : vector<1024x128xf32>
    %logistic3A_26 = arith.divf %logistic3A_24, %logistic3A_25 : vector<1024x128xf32>
    %mul3A_27 = arith.mulf %add3A_21, %logistic3A_26 : vector<1024x128xf32>
    %mul3A_28 = arith.constant 1024 : i32
    %mul3A_29 = arith.muli %arg0, %mul3A_28 : i32
    %iota3A = tpu.iota {dimensions = array<i32: 0>} : vector<1024x1xi32>
    %add3A_30 = vector.broadcast %mul3A_29 : i32 to vector<1024x1xi32>
    %add3A_31 = arith.addi %add3A_30, %iota3A : vector<1024x1xi32>
    %lt3A = arith.constant 10000 : i32
    %lt3A_32 = vector.broadcast %lt3A : i32 to vector<1024x1xi32>
    %lt3A_33 = arith.cmpi slt, %add3A_31, %lt3A_32 : vector<1024x1xi32>
    %jit3A = arith.constant 0.000000e+00 : f32
    %broadcast_in_dim3A = vector.shape_cast %lt3A_33 : vector<1024x1xi1> to vector<1024x1xi1>
    %broadcast_in_dim3A_34 = vector.broadcast %broadcast_in_dim3A : vector<1024x1xi1> to vector<1024x128xi1>
    %broadcast_in_dim3A_35 = vector.broadcast %jit3A : f32 to vector<1024x128xf32>
    %select_n3A = arith.select %broadcast_in_dim3A_34, %mul3A_27, %broadcast_in_dim3A_35 : vector<1024x128xi1>, vector<1024x128xf32>
    %reduce_sum3A = arith.constant dense<0.000000e+00> : vector<128xf32>
    %reduce_sum3A_36 = vector.multi_reduction <add>, %select_n3A, %reduce_sum3A [0] : vector<1024x128xf32> to vector<128xf32>
    %broadcast_in_dim3A_37 = vector.shape_cast %reduce_sum3A_36 : vector<128xf32> to vector<1x128xf32>
    %eq3A = arith.constant 0 : i32
    %eq3A_38 = arith.cmpi eq, %arg0, %eq3A : i32
    %convert_element_type3A = arith.extui %eq3A_38 : i1 to i32
    %cond3A = arith.constant 0 : i32
    %cond3A_39 = arith.cmpi ne, %convert_element_type3A, %cond3A : i32
    scf.if %cond3A_39 {
      %swap3A = arith.constant 0 : index
      %swap3A_49 = arith.constant 0 : index
      %swap3A_50 = vector.load %arg10[%swap3A, %swap3A_49] : memref<1x128xf32, #tpu.memory_space<vmem>>, vector<1x128xf32>
      tpu.vector_store %arg10[%swap3A, %swap3A_49], %broadcast_in_dim3A_37 {strides = array<i32>} : memref<1x128xf32, #tpu.memory_space<vmem>>, vector<1x128xf32>,
    } else {
    }
    %gt3A = arith.constant 0 : i32
    %gt3A_40 = arith.cmpi sgt, %arg0, %gt3A : i32
    %convert_element_type3A_41 = arith.extui %gt3A_40 : i1 to i32
    %cond3A_42 = arith.constant 0 : i32
    %cond3A_43 = arith.cmpi ne, %convert_element_type3A_41, %cond3A_42 : i32
    scf.if %cond3A_43 {
      %get3A_49 = arith.constant 0 : index
      %get3A_50 = arith.constant 0 : index
      %get3A_51 = vector.load %arg10[%get3A_49, %get3A_50] : memref<1x128xf32, #tpu.memory_space<vmem>>, vector<1x128xf32>
      %add3A_52 = arith.addf %get3A_51, %broadcast_in_dim3A_37 : vector<1x128xf32>
      %swap3A = arith.constant 0 : index
      %swap3A_53 = arith.constant 0 : index
      %swap3A_54 = vector.load %arg10[%swap3A, %swap3A_53] : memref<1x128xf32, #tpu.memory_space<vmem>>, vector<1x128xf32>
      tpu.vector_store %arg10[%swap3A, %swap3A_53], %add3A_52 {strides = array<i32>} : memref<1x128xf32, #tpu.memory_space<vmem>>, vector<1x128xf32>,
    } else {
    }
    %eq3A_44 = arith.constant 9 : i32
    %eq3A_45 = arith.cmpi eq, %arg0, %eq3A_44 : i32
    %convert_element_type3A_46 = arith.extui %eq3A_45 : i1 to i32
    %cond3A_47 = arith.constant 0 : i32
    %cond3A_48 = arith.cmpi ne, %convert_element_type3A_46, %cond3A_47 : i32
    scf.if %cond3A_48 {
      %get3A_49 = arith.constant 0 : index
      %get3A_50 = arith.constant 0 : index
      %get3A_51 = vector.load %arg10[%get3A_49, %get3A_50] : memref<1x128xf32, #tpu.memory_space<vmem>>, vector<1x128xf32>
      %get3A_52 = arith.constant 0 : index
      %get3A_53 = arith.constant 0 : index
      %get3A_54 = vector.load %arg5[%get3A_52, %get3A_53] : memref<128x128xf32, #tpu.memory_space<vmem>>, vector<128x128xf32>
      %dot_general3A_55 = arith.constant dense<0.000000e+00> : vector<1x128xf32>
      %dot_general3A_56 = tpu.matmul %get3A_51, %get3A_54, %dot_general3A_55 {dimension_numbers = #tpu.dot_dimension_numbers<[1], [0], [0], [1], [0, 0, 1, 1], [], []>, precision = #tpu.contract_precision<fp32>, transpose_lhs_hint = false} : vector<1x128xf32>, vector<128x128xf32>, vector<1x128xf32> -> vector<1x128xf32>
      %get3A_57 = arith.constant 0 : index
      %get3A_58 = arith.constant 0 : index
      %get3A_59 = vector.load %arg6[%get3A_57, %get3A_58] : memref<1x128xf32, #tpu.memory_space<vmem>>, vector<1x128xf32>
      %mul3A_60 = arith.constant 1.000000e+04 : f32
      %mul3A_61 = vector.broadcast %mul3A_60 : f32 to vector<1x128xf32>
      %mul3A_62 = arith.mulf %mul3A_61, %get3A_59 : vector<1x128xf32>
      %add3A_63 = arith.addf %dot_general3A_56, %mul3A_62 : vector<1x128xf32>
      %get3A_64 = arith.constant 0 : index
      %get3A_65 = arith.constant 0 : index
      %get3A_66 = vector.load %arg7[%get3A_64, %get3A_65] : memref<128x1xf32, #tpu.memory_space<vmem>>, vector<128x1xf32>
      %dot_general3A_67 = arith.constant dense<0.000000e+00> : vector<1x1xf32>
      %dot_general3A_68 = tpu.matmul %add3A_63, %get3A_66, %dot_general3A_67 {dimension_numbers = #tpu.dot_dimension_numbers<[1], [0], [0], [1], [0, 0, 1, 1], [], []>, precision = #tpu.contract_precision<fp32>, transpose_lhs_hint = false} : vector<1x128xf32>, vector<128x1xf32>, vector<1x1xf32> -> vector<1x1xf32>
      %get3A_69 = arith.constant 0 : index
      %get3A_70 = arith.constant 0 : index
      %get3A_71 = vector.load %arg8[%get3A_69, %get3A_70] : memref<1x1xf32, #tpu.memory_space<vmem>>, vector<1x1xf32>
      %add3A_72 = arith.addf %dot_general3A_68, %get3A_71 : vector<1x1xf32>
      %swap3A = arith.constant 0 : index
      %swap3A_73 = arith.constant 0 : index
      %swap3A_74 = vector.load %arg9[%swap3A, %swap3A_73] : memref<1x1xf32, #tpu.memory_space<vmem>>, vector<1x1xf32>
      tpu.vector_store %arg9[%swap3A, %swap3A_73], %add3A_72 {strides = array<i32>} : memref<1x1xf32, #tpu.memory_space<vmem>>, vector<1x1xf32>,
    } else {
    }
    return
  }
  func.func @transform_0(%arg0: i32) -> (i32, i32, i32) {
    %c0_i32 = arith.constant 0 : i32
    %c0_i32_0 = arith.constant 0 : i32
    %c0_i32_1 = arith.constant 0 : i32
    return %c0_i32, %arg0, %c0_i32_0 : i32, i32, i32
  }
  func.func @transform_1(%arg0: i32) -> (i32, i32) {
    %c0_i32 = arith.constant 0 : i32
    %c0_i32_0 = arith.constant 0 : i32
    return %arg0, %c0_i32 : i32, i32
  }
  func.func @transform_2(%arg0: i32) -> (i32, i32) {
    %c0_i32 = arith.constant 0 : i32
    %c0_i32_0 = arith.constant 0 : i32
    %c0_i32_1 = arith.constant 0 : i32
    return %c0_i32, %c0_i32_0 : i32, i32
  }
  func.func @transform_3(%arg0: i32) -> (i32, i32) {
    %c0_i32 = arith.constant 0 : i32
    %c0_i32_0 = arith.constant 0 : i32
    %c0_i32_1 = arith.constant 0 : i32
    return %c0_i32, %c0_i32_0 : i32, i32
  }
  func.func @transform_4(%arg0: i32) -> (i32, i32) {
    %c0_i32 = arith.constant 0 : i32
    %c0_i32_0 = arith.constant 0 : i32
    %c0_i32_1 = arith.constant 0 : i32
    return %c0_i32, %c0_i32_0 : i32, i32
  }
  func.func @transform_5(%arg0: i32) -> (i32, i32) {
    %c0_i32 = arith.constant 0 : i32
    %c0_i32_0 = arith.constant 0 : i32
    %c0_i32_1 = arith.constant 0 : i32
    return %c0_i32, %c0_i32_0 : i32, i32
  }
  func.func @transform_6(%arg0: i32) -> (i32, i32) {
    %c0_i32 = arith.constant 0 : i32
    %c0_i32_0 = arith.constant 0 : i32
    %c0_i32_1 = arith.constant 0 : i32
    return %c0_i32, %c0_i32_0 : i32, i32
  }
  func.func @transform_7(%arg0: i32) -> (i32, i32) {
    %c0_i32 = arith.constant 0 : i32
    %c0_i32_0 = arith.constant 0 : i32
    %c0_i32_1 = arith.constant 0 : i32
    return %c0_i32, %c0_i32_0 : i32, i32
  }
  func.func @transform_8(%arg0: i32) -> (i32, i32) {
    %c0_i32 = arith.constant 0 : i32
    %c0_i32_0 = arith.constant 0 : i32
    %c0_i32_1 = arith.constant 0 : i32
    return %c0_i32, %c0_i32_0 : i32, i32
  }
}

module attributes {stable_mosaic.version = 14 : i64} {
  func.func @body(%arg0: i32, %arg1: memref<2x1024x128xf32, #tpu.memory_space<vmem>>, %arg2: memref<1024x1xf32, #tpu.memory_space<vmem>>, %arg3: memref<128x128xf32, #tpu.memory_space<vmem>>, %arg4: memref<1x128xf32, #tpu.memory_space<vmem>>, %arg5: memref<1024x1xf32, #tpu.memory_space<vmem>>, %arg6: memref<1024x128xf32, #tpu.memory_space<vmem>>) attributes {dimension_semantics = [#tpu.dimension_semantics<arbitrary>], iteration_bounds = array<i64: 10>, scalar_prefetch = 0 : i64, scratch_operands = 0 : i64, tpu.core_type = #tpu.core_type<tc>, window_params = [{transform_indices = @transform_0, window_bounds = array<i64: 2, 1024, 128>}, {transform_indices = @transform_1, window_bounds = array<i64: 1024, 1>}, {pipeline_mode = #tpu.pipeline_mode<synchronous>, transform_indices = @transform_2, window_bounds = array<i64: 128, 128>}, {pipeline_mode = #tpu.pipeline_mode<synchronous>, transform_indices = @transform_3, window_bounds = array<i64: 1, 128>}, {transform_indices = @transform_4, window_bounds = array<i64: 1024, 1>}, {transform_indices = @transform_5, window_bounds = array<i64: 1024, 128>}]} {
    %get3A = arith.constant 0 : index
    %get3A_0 = arith.constant 0 : index
    %get3A_1 = arith.constant 0 : index
    %get3A_2 = vector.load %arg1[%get3A, %get3A_0, %get3A_1] : memref<2x1024x128xf32, #tpu.memory_space<vmem>>, vector<1x1024x128xf32>
    %get3A_3 = vector.shape_cast %get3A_2 : vector<1x1024x128xf32> to vector<1024x128xf32>
    %get3A_4 = arith.constant 1 : index
    %get3A_5 = arith.constant 0 : index
    %get3A_6 = arith.constant 0 : index
    %get3A_7 = vector.load %arg1[%get3A_4, %get3A_5, %get3A_6] : memref<2x1024x128xf32, #tpu.memory_space<vmem>>, vector<1x1024x128xf32>
    %get3A_8 = vector.shape_cast %get3A_7 : vector<1x1024x128xf32> to vector<1024x128xf32>
    %add3A = arith.addf %get3A_3, %get3A_8 : vector<1024x128xf32>
    %get3A_9 = arith.constant 0 : index
    %get3A_10 = arith.constant 0 : index
    %get3A_11 = vector.load %arg2[%get3A_9, %get3A_10] : memref<1024x1xf32, #tpu.memory_space<vmem>>, vector<1024x1xf32>
    %mul3A = vector.broadcast %get3A_11 : vector<1024x1xf32> to vector<1024x128xf32>
    %mul3A_12 = arith.mulf %add3A, %mul3A : vector<1024x128xf32>
    %get3A_13 = arith.constant 0 : index
    %get3A_14 = arith.constant 0 : index
    %get3A_15 = vector.load %arg3[%get3A_13, %get3A_14] : memref<128x128xf32, #tpu.memory_space<vmem>>, vector<128x128xf32>
    %dot_general3A = arith.constant dense<0.000000e+00> : vector<1024x128xf32>
    %dot_general3A_16 = tpu.matmul %mul3A_12, %get3A_15, %dot_general3A {dimension_numbers = #tpu.dot_dimension_numbers<[1], [0], [0], [1], [0, 0, 1, 1], [], []>, precision = #tpu.contract_precision<fp32>, transpose_lhs_hint = false} : vector<1024x128xf32>, vector<128x128xf32>, vector<1024x128xf32> -> vector<1024x128xf32>
    %get3A_17 = arith.constant 0 : index
    %get3A_18 = arith.constant 0 : index
    %get3A_19 = vector.load %arg4[%get3A_17, %get3A_18] : memref<1x128xf32, #tpu.memory_space<vmem>>, vector<1x128xf32>
    %add3A_20 = vector.broadcast %get3A_19 : vector<1x128xf32> to vector<1024x128xf32>
    %add3A_21 = arith.addf %dot_general3A_16, %add3A_20 : vector<1024x128xf32>
    %logistic3A = arith.negf %add3A_21 : vector<1024x128xf32>
    %logistic3A_22 = math.exp %logistic3A : vector<1024x128xf32>
    %logistic3A_23 = arith.constant 1.000000e+00 : f32
    %logistic3A_24 = vector.broadcast %logistic3A_23 : f32 to vector<1024x128xf32>
    %logistic3A_25 = arith.addf %logistic3A_24, %logistic3A_22 : vector<1024x128xf32>
    %logistic3A_26 = arith.divf %logistic3A_24, %logistic3A_25 : vector<1024x128xf32>
    %mul3A_27 = arith.mulf %add3A_21, %logistic3A_26 : vector<1024x128xf32>
    %get3A_28 = arith.constant 0 : index
    %get3A_29 = arith.constant 0 : index
    %get3A_30 = vector.load %arg5[%get3A_28, %get3A_29] : memref<1024x1xf32, #tpu.memory_space<vmem>>, vector<1024x1xf32>
    %mul3A_31 = vector.broadcast %get3A_30 : vector<1024x1xf32> to vector<1024x128xf32>
    %mul3A_32 = arith.mulf %mul3A_27, %mul3A_31 : vector<1024x128xf32>
    %mul3A_33 = arith.constant 1024 : i32
    %mul3A_34 = arith.muli %arg0, %mul3A_33 : i32
    %iota3A = tpu.iota {dimensions = array<i32: 0>} : vector<1024x1xi32>
    %add3A_35 = vector.broadcast %mul3A_34 : i32 to vector<1024x1xi32>
    %add3A_36 = arith.addi %add3A_35, %iota3A : vector<1024x1xi32>
    %lt3A = arith.constant 10000 : i32
    %lt3A_37 = vector.broadcast %lt3A : i32 to vector<1024x1xi32>
    %lt3A_38 = arith.cmpi slt, %add3A_36, %lt3A_37 : vector<1024x1xi32>
    %jit3A = arith.constant 0.000000e+00 : f32
    %broadcast_in_dim3A = vector.shape_cast %lt3A_38 : vector<1024x1xi1> to vector<1024x1xi1>
    %broadcast_in_dim3A_39 = vector.broadcast %broadcast_in_dim3A : vector<1024x1xi1> to vector<1024x128xi1>
    %broadcast_in_dim3A_40 = vector.broadcast %jit3A : f32 to vector<1024x128xf32>
    %select_n3A = arith.select %broadcast_in_dim3A_39, %mul3A_32, %broadcast_in_dim3A_40 : vector<1024x128xi1>, vector<1024x128xf32>
    %swap3A = arith.constant 0 : index
    %swap3A_41 = arith.constant 0 : index
    %swap3A_42 = vector.load %arg6[%swap3A, %swap3A_41] : memref<1024x128xf32, #tpu.memory_space<vmem>>, vector<1024x128xf32>
    tpu.vector_store %arg6[%swap3A, %swap3A_41], %select_n3A {strides = array<i32>} : memref<1024x128xf32, #tpu.memory_space<vmem>>, vector<1024x128xf32>,
    return
  }
  func.func @transform_0(%arg0: i32) -> (i32, i32, i32) {
    %c0_i32 = arith.constant 0 : i32
    %c0_i32_0 = arith.constant 0 : i32
    %c0_i32_1 = arith.constant 0 : i32
    return %c0_i32, %arg0, %c0_i32_0 : i32, i32, i32
  }
  func.func @transform_1(%arg0: i32) -> (i32, i32) {
    %c0_i32 = arith.constant 0 : i32
    %c0_i32_0 = arith.constant 0 : i32
    return %arg0, %c0_i32 : i32, i32
  }
  func.func @transform_2(%arg0: i32) -> (i32, i32) {
    %c0_i32 = arith.constant 0 : i32
    %c0_i32_0 = arith.constant 0 : i32
    %c0_i32_1 = arith.constant 0 : i32
    return %c0_i32, %c0_i32_0 : i32, i32
  }
  func.func @transform_3(%arg0: i32) -> (i32, i32) {
    %c0_i32 = arith.constant 0 : i32
    %c0_i32_0 = arith.constant 0 : i32
    %c0_i32_1 = arith.constant 0 : i32
    return %c0_i32, %c0_i32_0 : i32, i32
  }
  func.func @transform_4(%arg0: i32) -> (i32, i32) {
    %c0_i32 = arith.constant 0 : i32
    %c0_i32_0 = arith.constant 0 : i32
    return %arg0, %c0_i32 : i32, i32
  }
  func.func @transform_5(%arg0: i32) -> (i32, i32) {
    %c0_i32 = arith.constant 0 : i32
    %c0_i32_0 = arith.constant 0 : i32
    return %arg0, %c0_i32 : i32, i32
  }
}

</mosaic_0001>

<sc_bundles>
// kernel: kernel.11.cloned.1.call-start
scs
__scs_entry_jumppad:
0x0: {  	(pc) =	sbr.rel $0x88, $3  }
0x1: {  	(tag) =	ssettag $0x0;
	lr =	simm.s32 $0x1  }
0x2: {  	[smem:$0x3F93] =	sst lr;
	_ =	strace $0xD0000000  }
0x3: {  	_ = 	snop  }
0x4: {  	_ = 	snop  }
0x5: {  	_ = 	snop  }
0x6: {  	_ = 	snop  }
0x7: {  	_ = 	snop  }
__scs_overlays_trampoline_lowered:
0x8: {  	[smem:$0x3FA2] =	sst s0  }
0x9: {  	[smem:$0x3FA3] =	sst s1  }
0xa: {  	[smem:$0x3FA4] =	sst s2  }
0xb: {  	[smem:$0x3FA5] =	sst s3  }
0xc: {  	[smem:$0x3FA6] =	sst s4  }
0xd: {  	[smem:$0x3FA7] =	sst s5  }
0xe: {  	[smem:$0x3FA8] =	sst s6  }
0xf: {  	[smem:$0x3FA9] =	sst s7  }
0x10: {  	[smem:$0x3FAA] =	sst s8  }
0x11: {  	[smem:$0x3FAB] =	sst s9;
	s0 =	simm.s32 @!p0 $0x0  }
0x12: {  	s1 =	sld [smem:$0x3F91];
	s0 =	simm.s32 @p0 $0x1  }
0x13: {  	[smem:$0x3FAC] =	sst s0;
	s0 =	simm.s32 @!p1 $0x0  }
0x14: {  	s2 =	sld [smem:$0x3F90];
	s0 =	simm.s32 @p1 $0x1  }
0x15: {  	[smem:$0x3FAD] =	sst s0;
	s0 =	simm.s32 @!p2 $0x0  }
0x16: {  	s3 =	sld [smem:$0x3FDB];
	s0 =	simm.s32 @p2 $0x1  }
0x17: {  	s4 =	simm.s32 $0x1BF5;
	[smem:$0x3FAF] =	sst s0  }
0x18: {  	s0 =	sld [smem:$0x3F92];
	_ =	swait.ge [sflag:s4], $0x0  }
0x19: {  	s7 =	sld [smem:$0x3F93]  }
0x1a: {  	s8 =	sadd.s32 $0xFFFFE003, lr  }
0x1b: {  	s9 =	sadd.s32 $0xFFFFFEF7, lr;
	s5 =	simm.s32 $0xFFFFFFFF;
	p2 =	slt.u32 s8, $0xFFFFF086  }
0x1c: {  	p1 =	slt.u32 s9, $0xF7A;
	s5 =	simm.s32 @!p2 $0x0  }
0x1d: {  	s5 =	simm.s32 @p1 $0x1;
	p0 =	seq.s32 s7, s2  }
0x1e: {  	s7 =	smul.u32 @!p0 $0xF7A, s2;
	p2 =	seq.s32 @!p0 s5, $0x0  }
0x1f: {  	s9 =	smul.u32 $0xF7A, s1;
	s8 =	simm.s32 @!p0 $0x1BF5;
	p2 =	por !p2, p0  }
0x20: {  	[sflag:s8] =	ssyncset.s32 @!p0 $0xFFFFF086;
	s6 =	sadd.s32 @!p0 s3, s7;
	s7 =	simm.s32 @!p0 $0x108  }
0x21: {  	s3 =	sadd.s32 s3, s9;
	s6 =	sadd.s32 @!p0 $0x88, s6;
	s7 =	simm.s32 @p2 $0x1082  }
0x22: {  	[simem:s7], [sflag:s8] =	dma.local @!p0 [hbm:s6], $0xF7A  }
0x23: {  	s9 =	sor.u32 $0xD0000000, s2;
	s6 =	simm.s32 $0x108;
	_ =	swait.ge @!p0 [sflag:s8], $0x0  }
0x24: {  	s3 =	sadd.s32 $0x88, s3;
	s6 =	simm.s32 @!p1 $0x1082;
	[sflag:s4] =	ssyncset.s32 $0xFFFFF086  }
0x25: {  	[simem:s6], [sflag:s4] =	dma.local [hbm:s3], $0xF7A  }
0x26: {  	[smem:$0x3F93] =	sst s1;
	(tag) =	ssettag s2;
	_ =	strace s9  }
0x27: {  	s1 =	sld [smem:$0x3FA3]  }
0x28: {  	s2 =	sld [smem:$0x3FA4]  }
0x29: {  	s4 =	sld [smem:$0x3FA6]  }
0x2a: {  	p0 =	seq.s32 s5, $0x0;
	s5 =	sld [smem:$0x3FA7]  }
0x2b: {  	s6 =	sld [smem:$0x3FA8]  }
0x2c: {  	s7 =	sld [smem:$0x3FA9]  }
0x2d: {  	s3 =	simm.s32 $0x108;
	s8 =	sld [smem:$0x3FAA]  }
0x2e: {  	s3 =	simm.s32 @!p0 $0x1082;
	s9 =	sld [smem:$0x3FAB]  }
0x2f: {  	lr =	sadd.s32 s0, s3;
	s0 =	sld [smem:$0x3FA2]  }
0x30: {  	s3 =	sld [smem:$0x3FA5]  }
0x31: {  	[smem:$0x3FAE] =	sst s10  }
0x32: {  	s10 =	sld [smem:$0x3FAC];
	_ =	sdelay $0x3  }
0x33: {  	p0 =	seq.s32 s10, $0x1;
	s10 =	sld [smem:$0x3FAE];
	_ =	sdelay $0x3  }
0x34: {  	[smem:$0x3FAE] =	sst s10  }
0x35: {  	s10 =	sld [smem:$0x3FAD];
	_ =	sdelay $0x3  }
0x36: {  	p1 =	seq.s32 s10, $0x1;
	s10 =	sld [smem:$0x3FAE];
	_ =	sdelay $0x3  }
0x37: {  	[smem:$0x3FAE] =	sst s10  }
0x38: {  	s10 =	sld [smem:$0x3FAF]  }
0x39: {  	_ = 	snop;
	(pc) =	sbr.ind lr, $3  }
0x3a: {  	_ = 	snop  }
0x3b: {  	_ = 	snop  }
0x3c: {  	p2 =	seq.s32 s10, $0x1;
	s10 =	sld [smem:$0x3FAE]  }
0x3d: {  	_ =	shalt  }
0x3e: {  	_ =	shalt  }
0x3f: {  	_ =	shalt  }
0x40: {  	_ =	shalt  }
0x41: {  	_ =	shalt  }
0x42: {  	_ =	shalt  }
0x43: {  	_ =	shalt  }
0x44: {  	_ =	shalt  }
0x45: {  	_ =	shalt  }
0x46: {  	_ =	shalt  }
0x47: {  	_ =	shalt  }
0x48: {  	_ =	shalt  }
0x49: {  	_ =	shalt  }
0x4a: {  	_ =	shalt  }
0x4b: {  	_ =	shalt  }
0x4c: {  	_ =	shalt  }
0x4d: {  	_ =	shalt  }
0x4e: {  	_ =	shalt  }
0x4f: {  	_ =	shalt  }
0x50: {  	_ =	shalt  }
0x51: {  	_ =	shalt  }
0x52: {  	_ =	shalt  }
0x53: {  	_ =	shalt  }
0x54: {  	_ =	shalt  }
0x55: {  	_ =	shalt  }
0x56: {  	_ =	shalt  }
0x57: {  	_ =	shalt  }
0x58: {  	_ =	shalt  }
0x59: {  	_ =	shalt  }
0x5a: {  	_ =	shalt  }
0x5b: {  	_ =	shalt  }
0x5c: {  	_ =	shalt  }
0x5d: {  	_ =	shalt  }
0x5e: {  	_ =	shalt  }
0x5f: {  	_ =	shalt  }
0x60: {  	_ =	shalt  }
0x61: {  	_ =	shalt  }
0x62: {  	_ =	shalt  }
0x63: {  	_ =	shalt  }
0x64: {  	_ =	shalt  }
0x65: {  	_ =	shalt  }
0x66: {  	_ =	shalt  }
0x67: {  	_ =	shalt  }
0x68: {  	_ =	shalt  }
0x69: {  	_ =	shalt  }
0x6a: {  	_ =	shalt  }
0x6b: {  	_ =	shalt  }
0x6c: {  	_ =	shalt  }
0x6d: {  	_ =	shalt  }
0x6e: {  	_ =	shalt  }
0x6f: {  	_ =	shalt  }
0x70: {  	_ =	shalt  }
0x71: {  	_ =	shalt  }
0x72: {  	_ =	shalt  }
0x73: {  	_ =	shalt  }
0x74: {  	_ =	shalt  }
0x75: {  	_ =	shalt  }
0x76: {  	_ =	shalt  }
0x77: {  	_ =	shalt  }
0x78: {  	_ =	shalt  }
0x79: {  	_ =	shalt  }
0x7a: {  	_ =	shalt  }
0x7b: {  	_ =	shalt  }
0x7c: {  	_ =	shalt  }
0x7d: {  	_ =	shalt  }
0x7e: {  	_ =	shalt  }
0x7f: {  	_ =	shalt  }
0x80: {  	_ =	shalt  }
0x81: {  	_ =	shalt  }
0x82: {  	_ =	shalt  }
0x83: {  	_ =	shalt  }
0x84: {  	_ =	shalt  }
0x85: {  	_ =	shalt  }
0x86: {  	_ =	shalt  }
0x87: {  	_ =	shalt  }
.Lfunc_end0:
.L_simem_size_0:
called_computation_lowered:
.L_overlay_start_0:
0x88: {  	s2 =	sld [smem:$0x3FD9]  }
0x89: {  	s3 =	sld [smem:$0x3FFE];
	_ =	sdelay $0x1  }
0x8a: {  	s1 =	srdreg.scid  }
0x8b: {  	s0 =	sand.u32 $0x1, s1  }
0x8c: {  	s16 =	sshll.u32 s0, $0xA;
	s2 =	sadd.s32 s3, s2  }
0x8d: {  	s2 =	sadd.s32 s2, s16  }
0x8e: {  	[smem:$0x3FBA] =	sst s2  }
0x8f: {  	_ = 	snop  }
0x90: {  	(tm) =	ssettm $0x1  }
0x91: {  	s17 =	sld [smem:$0x3FFB];
	_ =	sdelay $0x3  }
0x92: {  	_ =	strace s17  }
0x93: {  	s2 =	sld [smem:$0x3FFC];
	_ =	sdelay $0x3  }
0x94: {  	_ =	strace s2  }
0x95: {  	s2 =	sld [smem:$0x3FFD];
	_ =	sdelay $0x3  }
0x96: {  	_ =	strace s2  }
0x97: {  	_ =	strace $0x8FFFFFFF  }
0x98: {  	s18 =	sld [smem:$0x3FDB];
	_ =	sdelay $0x1  }
0x99: {  	s19 =	simm.s32 $_scs_section_size  }
0x9a: {  	s4 =	simm.s32 $_size__tile_overlayer_lowered;
	s5 =	simm.s32 $_tile_overlayer_lowered  }
0x9b: {  	s22 =	simm.s32 $0x1BFF;
	s21 =	sshll.u32 s5, $0x1;
	s2 =	sadd.s32 s19, s18  }
0x9c: {  	s6 =	simm.s32 $0x0;
	s20 =	sshll.u32 s4, $0x1;
	s4 =	sadd.s32 s21, s2  }
0x9d: {  	[timem:s6], [sflag:s22] =	dma.local [hbm:s4], s20  }
0x9e: {  	_ =	swait.ge [sflag:s22], s20  }
0x9f: {  	s3 =	ssub.s32 $0x0, s20;
	[sflag:s22] =	ssyncset.done $0x0  }
0xa0: {  	[sflag:s22] =	ssyncadd.s32 s3;
	_ =	sdelay $0x1  }
0xa1: {  	s23 =	simm.s32 $0x1B8B  }
0xa2: {  	_ =	swait.ge [sflag:s23], $0x1  }
0xa3: {  	[sflag:s23] =	ssyncset.done $0x0  }
0xa4: {  	s25 =	simm.s32 $0x1B8E;
	s24 =	sld [smem:$0x3FFE];
	[sflag:s23] =	ssyncadd.s32 $0xFFFFFFFF  }
0xa5: {  	s26 =	simm.s32 $execute0_lowered;
	[smem:$0x3FD2] =	sst s25  }
0xa6: {  	s4 =	sshll.u32 s26, $0x1;
	_ =	strace $0x80000046;
	[dreg:$0x1] =	wrdreg $0xFFFFFFFF  }
0xa7: {  	s28 =	simm.s32 $_size_execute0_lowered;
	s2 =	sadd.s32 s2, s4;
	[dreg:$0x0] =	wrdreg $0x0  }
0xa8: {  	s4 =	sshll.u32 s28, $0x1;
	[dreg:$0x2] =	wrdreg s2  }
0xa9: {  	[dreg:$0x3] =	wrdreg s4  }
0xaa: {  	[dreg:$0x4] =	wrdreg $0xC0  }
0xab: {  	_ =	task [dreg:s6], $0x5FFFF  }
0xac: {  	[dreg:$0x1] =	wrdreg $0xFFFFFFFF  }
0xad: {  	[dreg:$0x0] =	wrdreg $0x60  }
0xae: {  	[dreg:$0x2] =	wrdreg s24  }
0xaf: {  	[dreg:$0x3] =	wrdreg $0x9  }
0xb0: {  	_ =	task.clear_ibuf [dreg:s6], $0x4FFFF;
	_ =	strace $0x90000046  }
0xb1: {  	s29 =	simm.s32 $0x9;
	_ =	strace $0x80000048  }
0xb2: {  	_ =	swait.ge [sflag:s29], $0x1  }
0xb3: {  	[sflag:s29] =	ssyncadd.s32 $0xFFFFFFFF  }
0xb4: {  	_ =	strace $0x90000048  }
0xb5: {  	_ =	sfence  }
0xb6: {  	s30 =	sld [smem:$0x0];
	_ =	sdelay $0x2  }
0xb7: {  	s31 =	sshll.u32 s1, $0xD;
	s1 =	sshrl.u32 s1, $0x2  }
0xb8: {  	s3 =	sand.u32 $0x4000, s31;
	s1 =	sadd.s32 s1, s30  }
0xb9: {  	s0 =	sor.u32 s3, s0;
	s1 =	sshll.u32 s1, $0x11  }
0xba: {  	s0 =	sor.u32 s1, s0  }
0xbb: {  	s0 =	sadd.s32 $0x8F2B, s0  }
0xbc: {  	[sflag:s0] =	ssyncadd.remote.s32 $0x1  }
0xbd: {  	_ =	sfence.sel $0xFFFF  }
0xbe: {  	[dreg:$0x0] =	wrdreg $0xFFFFFFFF;
	(pc) =	sbr.abs _section_cstart, $3  }
0xbf: {  	[dreg:$0x1] =	wrdreg $0xFFFFFFFF  }
0xc0: {  	_ =	task.clear_ibuf [dreg:s6], $0x2FFFF;
	_ =	strace $0x9FFFFFFF  }
0xc1: {  	(tm) =	ssettm $0x7FFFFFFF  }
tec
execute0_lowered:
.L_overlay_start_1:
0x0: {  	(tag) =	ssettag $0x1  }
0x1: {  	s1 =	srdreg.scid  }
0x2: {  	s0 =	stileid.u32;
	s3 =	rddreg [dreg:$0x0];
	s8 =	simm.s32 $0x1  }
0x3: {  	s9 =	simm.s32 $0x2800;
	s10 =	simm.s32 $0x5000;
	s11 =	simm.s32 $0x7800  }
0x4: {  	s12 =	simm.s32 $0x80;
	s13 =	simm.s32 $0x400;
	s14 =	simm.s32 $0x0  }
0x5: {  	s4 =	sand.u32 $0x1, s1;
	s2 =	sshll.u32 s0, $0x1;
	s1 =	rddreg [dreg:$0x1]  }
0x6: {  	s6 =	sshrl.u32 s0, $0x2;
	s5 =	sor.u32 s4, s2;
	s2 =	simm.s32 $0x0  }
0x7: {  	s6 =	smul.u32 $0x14000, s6;
	s4 =	ssub.s32 $0x2, s4;
	s7 =	sshll.u32 s5, $0x7  }
0x8: {  	[smem:$0x7FF] =	sst s2;
	s5 =	smul.u32 $0x500, s5;
	s7 =	sand.u32 $0x380, s7  }
0x9: {  	s31 =	sshrl.u32 s4, $0x1;
	_ =	strace $0x80000047;
	s6 =	sor.u32 s6, s7  }
0xa: {  	s5 =	sadd.s32 s5, s3;
	s7 =	ssub.s32 s4, s31;
	s6 =	sshrl.u32 s6, $0x3  }
0xb: {  	s4 =	sadd.s32 $0xD800, s5;
	s7 =	smax.u32 s7, $0x1;
	s6 =	sadd.s32 s6, s3  }
0xc: {  	v0 =	vimm.f32 $0.0e+00;
	v1 =	vimm.f32 $1.000000000e+00;
	s3 =	sadd.s32 $0x3800, s5;
	s5 =	sadd.s32 $0x17800, s6;
	s6 =	sadd.s32 $0x21800, s6  }
.LBB2_1:
0xd: {  	[tilespmem:s2], [sflag:$0x1] =	stream.linear.gather [hbm4b:s3+s2], $0x2780, $0x38;
	[tilespmem:$0xA000] =	vst v63  }
0xe: {  	_ =	swait.ge [sflag:s8], $0x2780  }
0xf: {  	[sflag:s8] =	ssyncset.done $0x0  }
0x10: {  	[sflag:s8] =	ssyncadd.s32 $0xFFFFD880  }
0x11: {  	[tilespmem:s9], [sflag:$0x1] =	stream.linear.gather [hbm4b:s4+s2], $0x2780, $0x38;
	[tilespmem:$0xA000] =	vst v63  }
0x12: {  	_ =	swait.ge [sflag:s8], $0x2780  }
0x13: {  	[sflag:s8] =	ssyncset.done $0x0  }
0x14: {  	s15 =	simm.s32 $0x0;
	[sflag:s8] =	ssyncadd.s32 $0xFFFFD880  }
.LBB2_2:
0x15: {  	p0 =	sne.s32 s15, $0x9FC0  }
.Ltmp0:
0x16: {  	_ = 	snop;
	(pc) =	sbr.rel @p0 .LBB2_2-.Ltmp0, $4  }
0x17: {  	_ = 	snop  }
0x18: {  	s16 =	sshra.s32 s15, $0x2  }
0x19: {  	[tilespmem:s16+$0x5000] =	vst v0  }
0x1a: {  	s15 =	sadd.s32 $0x40, s15;
	[tilespmem:s16+$0x7800] =	vst v0  }
0x1b: {  	s16 =	simm.s32 $0x0  }
0x1c: {  	s15 =	simm.s32 $0x40;
	v2 =	vld [tilespmem:s16+$0x0]  }
.LBB2_4:
0x1d: {  	p0 =	sne.s32 s15, $0x9DC0;
	v3 =	vld [tilespmem:s16+$0x2800];
	_ =	sdelay $0x4  }
.Ltmp1:
0x1e: {  	(pc) =	sbr.rel @p0 .LBB2_4-.Ltmp1, $4  }
0x1f: {  	_ = 	snop  }
0x20: {  	[tilespmem:v2+s10+$0x0] =	vst.idx.add.f32.msk $0xffff, v1  }
0x21: {  	s16 =	sshra.s32 s15, $0x2;
	[tilespmem:v3+s11+$0x0] =	vst.idx.add.f32.msk $0xffff, v1  }
0x22: {  	s15 =	sadd.s32 $0x40, s15;
	v2 =	vld [tilespmem:s16+$0x0]  }
0x23: {  	_ = 	snop  }
0x24: {  	v3 =	vld [tilespmem:s16+$0x2800];
	_ =	sdelay $0x6  }
0x25: {  	[tilespmem:v2+s10+$0x0] =	vst.idx.add.f32.msk $0xffff, v1  }
0x26: {  	[tilespmem:v3+s11+$0x0] =	vst.idx.add.f32.msk $0xffff, v1  }
0x27: {  	[hbm4b:s5+s12] =	stream.strided.scatter [tilespmem:s10], [sflag:$0x1], $0x2800, s13, s12, $0x38;
	[tilespmem:$0xA000] =	vst v63  }
0x28: {  	s14 =	sadd.s32 $0x1, s14;
	_ =	swait.ge [sflag:s8], $0x2800  }
0x29: {  	p0 =	sne.s32 s14, s7;
	[sflag:s8] =	ssyncset.done $0x0  }
.Ltmp2:
0x2a: {  	[sflag:s8] =	ssyncadd.s32 $0xFFFFD800;
	(pc) =	sbr.rel @p0 .LBB2_1-.Ltmp2, $4  }
0x2b: {  	[hbm4b:s6+s12] =	stream.strided.scatter [tilespmem:s11], [sflag:$0x1], $0x2800, s13, s12, $0x38;
	[tilespmem:$0xA000] =	vst v63  }
0x2c: {  	_ =	swait.ge [sflag:s8], $0x2800  }
0x2d: {  	[sflag:s8] =	ssyncset.done $0x0  }
0x2e: {  	[sflag:s8] =	ssyncadd.s32 $0xFFFFD800  }
0x2f: {  	_ =	sfence.sel $0x180000  }
0x30: {  	[bflag:$0x0] =	sbarrier.arrive $0xFFFF  }
0x31: {  	p0 =	sne.s32 s0, $0x0;
	_ =	strace $0x90000047  }
0x32: {  	s0 =	sadd.s32 @!p0 $0x100000, s1;
	[bflag:$0x2] =	sbarrier.arrive $0xFFFF  }
0x33: {  	[sflag:s0] =	ssyncadd.tile.s32 @!p0 $0x1;
	_ =	shalt  }
.Lfunc_end2:
_tile_overlayer_lowered:
.L_overlay_start_2:
0x34: {  	(tag) =	ssettag $0x2  }
0x35: {  	s0 =	rddreg [dreg:$0x0];
	s2 =	stileid.u32  }
0x36: {  	s1 =	rddreg [dreg:$0x1];
	p0 =	sne.s32 s2, $0x0  }
0x37: {  	s3 =	rddreg [dreg:$0x2];
	[bflag:$0x3] =	sbarrier.arrive $0xFFFF;
	s2 =	simm.s32 @!p0 $0x1C01  }
0x38: {  	[timem:s3], [sflag:s2] =	dma.local @!p0 [hbm:s0], s1  }
0x39: {  	s0 =	simm.s32 @!p0 $0x1  }
0x3a: {  	_ =	swait.ge @!p0 [sflag:s0], s1  }
0x3b: {  	s1 =	ssub.s32 @!p0 $0x0, s1;
	[sflag:s0] =	ssyncset.done @!p0 $0x0  }
0x3c: {  	[sflag:s0] =	ssyncadd.s32 @!p0 s1  }
0x3d: {  	[bflag:$0x3] =	sbarrier.arrive $0xFFFF  }
0x3e: {  	_ =	shalt  }

// kernel: kernel.14.cloned.1.call-start
scs
__scs_entry_jumppad:
0x0: {  	(pc) =	sbr.rel $0x88, $3  }
0x1: {  	(tag) =	ssettag $0x0;
	lr =	simm.s32 $0x1  }
0x2: {  	[smem:$0x3F93] =	sst lr;
	_ =	strace $0xD0000000  }
0x3: {  	_ = 	snop  }
0x4: {  	_ = 	snop  }
0x5: {  	_ = 	snop  }
0x6: {  	_ = 	snop  }
0x7: {  	_ = 	snop  }
__scs_overlays_trampoline_lowered:
0x8: {  	[smem:$0x3FA2] =	sst s0  }
0x9: {  	[smem:$0x3FA3] =	sst s1  }
0xa: {  	[smem:$0x3FA4] =	sst s2  }
0xb: {  	[smem:$0x3FA5] =	sst s3  }
0xc: {  	[smem:$0x3FA6] =	sst s4  }
0xd: {  	[smem:$0x3FA7] =	sst s5  }
0xe: {  	[smem:$0x3FA8] =	sst s6  }
0xf: {  	[smem:$0x3FA9] =	sst s7  }
0x10: {  	[smem:$0x3FAA] =	sst s8  }
0x11: {  	[smem:$0x3FAB] =	sst s9;
	s0 =	simm.s32 @!p0 $0x0  }
0x12: {  	s1 =	sld [smem:$0x3F91];
	s0 =	simm.s32 @p0 $0x1  }
0x13: {  	[smem:$0x3FAC] =	sst s0;
	s0 =	simm.s32 @!p1 $0x0  }
0x14: {  	s2 =	sld [smem:$0x3F90];
	s0 =	simm.s32 @p1 $0x1  }
0x15: {  	[smem:$0x3FAD] =	sst s0;
	s0 =	simm.s32 @!p2 $0x0  }
0x16: {  	s3 =	sld [smem:$0x3FDB];
	s0 =	simm.s32 @p2 $0x1  }
0x17: {  	s4 =	simm.s32 $0x1BF5;
	[smem:$0x3FAF] =	sst s0  }
0x18: {  	s0 =	sld [smem:$0x3F92];
	_ =	swait.ge [sflag:s4], $0x0  }
0x19: {  	s7 =	sld [smem:$0x3F93]  }
0x1a: {  	s8 =	sadd.s32 $0xFFFFE003, lr  }
0x1b: {  	s9 =	sadd.s32 $0xFFFFFEF7, lr;
	s5 =	simm.s32 $0xFFFFFFFF;
	p2 =	slt.u32 s8, $0xFFFFF086  }
0x1c: {  	p1 =	slt.u32 s9, $0xF7A;
	s5 =	simm.s32 @!p2 $0x0  }
0x1d: {  	s5 =	simm.s32 @p1 $0x1;
	p0 =	seq.s32 s7, s2  }
0x1e: {  	s7 =	smul.u32 @!p0 $0xF7A, s2;
	p2 =	seq.s32 @!p0 s5, $0x0  }
0x1f: {  	s9 =	smul.u32 $0xF7A, s1;
	s8 =	simm.s32 @!p0 $0x1BF5;
	p2 =	por !p2, p0  }
0x20: {  	[sflag:s8] =	ssyncset.s32 @!p0 $0xFFFFF086;
	s6 =	sadd.s32 @!p0 s3, s7;
	s7 =	simm.s32 @!p0 $0x108  }
0x21: {  	s3 =	sadd.s32 s3, s9;
	s6 =	sadd.s32 @!p0 $0x88, s6;
	s7 =	simm.s32 @p2 $0x1082  }
0x22: {  	[simem:s7], [sflag:s8] =	dma.local @!p0 [hbm:s6], $0xF7A  }
0x23: {  	s9 =	sor.u32 $0xD0000000, s2;
	s6 =	simm.s32 $0x108;
	_ =	swait.ge @!p0 [sflag:s8], $0x0  }
0x24: {  	s3 =	sadd.s32 $0x88, s3;
	s6 =	simm.s32 @!p1 $0x1082;
	[sflag:s4] =	ssyncset.s32 $0xFFFFF086  }
0x25: {  	[simem:s6], [sflag:s4] =	dma.local [hbm:s3], $0xF7A  }
0x26: {  	[smem:$0x3F93] =	sst s1;
	(tag) =	ssettag s2;
	_ =	strace s9  }
0x27: {  	s1 =	sld [smem:$0x3FA3]  }
0x28: {  	s2 =	sld [smem:$0x3FA4]  }
0x29: {  	s4 =	sld [smem:$0x3FA6]  }
0x2a: {  	p0 =	seq.s32 s5, $0x0;
	s5 =	sld [smem:$0x3FA7]  }
0x2b: {  	s6 =	sld [smem:$0x3FA8]  }
0x2c: {  	s7 =	sld [smem:$0x3FA9]  }
0x2d: {  	s3 =	simm.s32 $0x108;
	s8 =	sld [smem:$0x3FAA]  }
0x2e: {  	s3 =	simm.s32 @!p0 $0x1082;
	s9 =	sld [smem:$0x3FAB]  }
0x2f: {  	lr =	sadd.s32 s0, s3;
	s0 =	sld [smem:$0x3FA2]  }
0x30: {  	s3 =	sld [smem:$0x3FA5]  }
0x31: {  	[smem:$0x3FAE] =	sst s10  }
0x32: {  	s10 =	sld [smem:$0x3FAC];
	_ =	sdelay $0x3  }
0x33: {  	p0 =	seq.s32 s10, $0x1;
	s10 =	sld [smem:$0x3FAE];
	_ =	sdelay $0x3  }
0x34: {  	[smem:$0x3FAE] =	sst s10  }
0x35: {  	s10 =	sld [smem:$0x3FAD];
	_ =	sdelay $0x3  }
0x36: {  	p1 =	seq.s32 s10, $0x1;
	s10 =	sld [smem:$0x3FAE];
	_ =	sdelay $0x3  }
0x37: {  	[smem:$0x3FAE] =	sst s10  }
0x38: {  	s10 =	sld [smem:$0x3FAF]  }
0x39: {  	_ = 	snop;
	(pc) =	sbr.ind lr, $3  }
0x3a: {  	_ = 	snop  }
0x3b: {  	_ = 	snop  }
0x3c: {  	p2 =	seq.s32 s10, $0x1;
	s10 =	sld [smem:$0x3FAE]  }
0x3d: {  	_ =	shalt  }
0x3e: {  	_ =	shalt  }
0x3f: {  	_ =	shalt  }
0x40: {  	_ =	shalt  }
0x41: {  	_ =	shalt  }
0x42: {  	_ =	shalt  }
0x43: {  	_ =	shalt  }
0x44: {  	_ =	shalt  }
0x45: {  	_ =	shalt  }
0x46: {  	_ =	shalt  }
0x47: {  	_ =	shalt  }
0x48: {  	_ =	shalt  }
0x49: {  	_ =	shalt  }
0x4a: {  	_ =	shalt  }
0x4b: {  	_ =	shalt  }
0x4c: {  	_ =	shalt  }
0x4d: {  	_ =	shalt  }
0x4e: {  	_ =	shalt  }
0x4f: {  	_ =	shalt  }
0x50: {  	_ =	shalt  }
0x51: {  	_ =	shalt  }
0x52: {  	_ =	shalt  }
0x53: {  	_ =	shalt  }
0x54: {  	_ =	shalt  }
0x55: {  	_ =	shalt  }
0x56: {  	_ =	shalt  }
0x57: {  	_ =	shalt  }
0x58: {  	_ =	shalt  }
0x59: {  	_ =	shalt  }
0x5a: {  	_ =	shalt  }
0x5b: {  	_ =	shalt  }
0x5c: {  	_ =	shalt  }
0x5d: {  	_ =	shalt  }
0x5e: {  	_ =	shalt  }
0x5f: {  	_ =	shalt  }
0x60: {  	_ =	shalt  }
0x61: {  	_ =	shalt  }
0x62: {  	_ =	shalt  }
0x63: {  	_ =	shalt  }
0x64: {  	_ =	shalt  }
0x65: {  	_ =	shalt  }
0x66: {  	_ =	shalt  }
0x67: {  	_ =	shalt  }
0x68: {  	_ =	shalt  }
0x69: {  	_ =	shalt  }
0x6a: {  	_ =	shalt  }
0x6b: {  	_ =	shalt  }
0x6c: {  	_ =	shalt  }
0x6d: {  	_ =	shalt  }
0x6e: {  	_ =	shalt  }
0x6f: {  	_ =	shalt  }
0x70: {  	_ =	shalt  }
0x71: {  	_ =	shalt  }
0x72: {  	_ =	shalt  }
0x73: {  	_ =	shalt  }
0x74: {  	_ =	shalt  }
0x75: {  	_ =	shalt  }
0x76: {  	_ =	shalt  }
0x77: {  	_ =	shalt  }
0x78: {  	_ =	shalt  }
0x79: {  	_ =	shalt  }
0x7a: {  	_ =	shalt  }
0x7b: {  	_ =	shalt  }
0x7c: {  	_ =	shalt  }
0x7d: {  	_ =	shalt  }
0x7e: {  	_ =	shalt  }
0x7f: {  	_ =	shalt  }
0x80: {  	_ =	shalt  }
0x81: {  	_ =	shalt  }
0x82: {  	_ =	shalt  }
0x83: {  	_ =	shalt  }
0x84: {  	_ =	shalt  }
0x85: {  	_ =	shalt  }
0x86: {  	_ =	shalt  }
0x87: {  	_ =	shalt  }
.Lfunc_end0:
.L_simem_size_0:
called_computation.1_lowered:
.L_overlay_start_0:
0x88: {  	s2 =	sld [smem:$0x3FD9]  }
0x89: {  	s3 =	sld [smem:$0x3FFE];
	_ =	sdelay $0x1  }
0x8a: {  	s1 =	srdreg.scid  }
0x8b: {  	s0 =	sand.u32 $0x1, s1  }
0x8c: {  	s16 =	sshll.u32 s0, $0xA;
	s2 =	sadd.s32 s3, s2  }
0x8d: {  	s2 =	sadd.s32 s2, s16  }
0x8e: {  	[smem:$0x3FBA] =	sst s2  }
0x8f: {  	_ = 	snop  }
0x90: {  	(tm) =	ssettm $0x1  }
0x91: {  	s17 =	sld [smem:$0x3FFB];
	_ =	sdelay $0x3  }
0x92: {  	_ =	strace s17  }
0x93: {  	s2 =	sld [smem:$0x3FFC];
	_ =	sdelay $0x3  }
0x94: {  	_ =	strace s2  }
0x95: {  	s2 =	sld [smem:$0x3FFD];
	_ =	sdelay $0x3  }
0x96: {  	_ =	strace s2  }
0x97: {  	_ =	strace $0x8FFFFFFF  }
0x98: {  	s18 =	sld [smem:$0x3FDB];
	_ =	sdelay $0x1  }
0x99: {  	s19 =	simm.s32 $_scs_section_size  }
0x9a: {  	s4 =	simm.s32 $_size__tile_overlayer_lowered;
	s5 =	simm.s32 $_tile_overlayer_lowered  }
0x9b: {  	s22 =	simm.s32 $0x1BFF;
	s21 =	sshll.u32 s5, $0x1;
	s2 =	sadd.s32 s19, s18  }
0x9c: {  	s6 =	simm.s32 $0x0;
	s20 =	sshll.u32 s4, $0x1;
	s4 =	sadd.s32 s21, s2  }
0x9d: {  	[timem:s6], [sflag:s22] =	dma.local [hbm:s4], s20  }
0x9e: {  	_ =	swait.ge [sflag:s22], s20  }
0x9f: {  	s3 =	ssub.s32 $0x0, s20;
	[sflag:s22] =	ssyncset.done $0x0  }
0xa0: {  	[sflag:s22] =	ssyncadd.s32 s3;
	_ =	sdelay $0x1  }
0xa1: {  	s23 =	simm.s32 $0x1B8B  }
0xa2: {  	_ =	swait.ge [sflag:s23], $0x1  }
0xa3: {  	[sflag:s23] =	ssyncset.done $0x0  }
0xa4: {  	s25 =	simm.s32 $0x1B8E;
	s24 =	sld [smem:$0x3FFE];
	[sflag:s23] =	ssyncadd.s32 $0xFFFFFFFF  }
0xa5: {  	s26 =	simm.s32 $execute0_lowered;
	[smem:$0x3FD2] =	sst s25  }
0xa6: {  	s4 =	sshll.u32 s26, $0x1;
	_ =	strace $0x80000049;
	[dreg:$0x1] =	wrdreg $0xFFFFFFFF  }
0xa7: {  	s28 =	simm.s32 $_size_execute0_lowered;
	s2 =	sadd.s32 s2, s4;
	[dreg:$0x0] =	wrdreg $0x0  }
0xa8: {  	s4 =	sshll.u32 s28, $0x1;
	[dreg:$0x2] =	wrdreg s2  }
0xa9: {  	[dreg:$0x3] =	wrdreg s4  }
0xaa: {  	[dreg:$0x4] =	wrdreg $0xC0  }
0xab: {  	_ =	task [dreg:s6], $0x5FFFF  }
0xac: {  	[dreg:$0x1] =	wrdreg $0xFFFFFFFF  }
0xad: {  	[dreg:$0x0] =	wrdreg $0x60  }
0xae: {  	[dreg:$0x2] =	wrdreg s24  }
0xaf: {  	[dreg:$0x3] =	wrdreg $0x90000  }
0xb0: {  	[dreg:$0x4] =	wrdreg $0x9  }
0xb1: {  	_ =	task.clear_ibuf [dreg:s6], $0x5FFFF;
	_ =	strace $0x90000049  }
0xb2: {  	s29 =	simm.s32 $0x9;
	_ =	strace $0x8000004B  }
0xb3: {  	_ =	swait.ge [sflag:s29], $0x1  }
0xb4: {  	[sflag:s29] =	ssyncadd.s32 $0xFFFFFFFF  }
0xb5: {  	_ =	strace $0x9000004B  }
0xb6: {  	_ =	sfence  }
0xb7: {  	s30 =	sld [smem:$0x0];
	_ =	sdelay $0x2  }
0xb8: {  	s31 =	sshll.u32 s1, $0xD;
	s1 =	sshrl.u32 s1, $0x2  }
0xb9: {  	s3 =	sand.u32 $0x4000, s31;
	s1 =	sadd.s32 s1, s30  }
0xba: {  	s0 =	sor.u32 s3, s0;
	s1 =	sshll.u32 s1, $0x11  }
0xbb: {  	s0 =	sor.u32 s1, s0  }
0xbc: {  	s0 =	sadd.s32 $0x8F2B, s0  }
0xbd: {  	[sflag:s0] =	ssyncadd.remote.s32 $0x1  }
0xbe: {  	_ =	sfence.sel $0xFFFF  }
0xbf: {  	[dreg:$0x0] =	wrdreg $0xFFFFFFFF;
	(pc) =	sbr.abs _section_cstart, $3  }
0xc0: {  	[dreg:$0x1] =	wrdreg $0xFFFFFFFF  }
0xc1: {  	_ =	task.clear_ibuf [dreg:s6], $0x2FFFF;
	_ =	strace $0x9FFFFFFF  }
0xc2: {  	(tm) =	ssettm $0x7FFFFFFF  }
0xc3: {  	_ =	shalt  }
tec
execute0_lowered:
.L_overlay_start_1:
0x0: {  	(tag) =	ssettag $0x1  }
0x1: {  	s1 =	srdreg.scid;
	s5 =	rddreg [dreg:$0x0]  }
0x2: {  	s0 =	stileid.u32;
	s2 =	rddreg [dreg:$0x1];
	s3 =	simm.s32 $0x0  }
0x3: {  	s14 =	simm.s32 $0x80;
	s15 =	simm.s32 $0x5000;
	s16 =	simm.s32 $0x1  }
0x4: {  	s17 =	simm.s32 $0x0;
	s6 =	sand.u32 $0x1, s1;
	s1 =	rddreg [dreg:$0x2]  }
0x5: {  	s30 =	sshll.u32 s0, $0x1;
	[smem:$0x7FF] =	sst s3;
	s8 =	smul.u32 $0x14000, s0  }
0x6: {  	s31 =	smul.u32 $0x50000, s0;
	s12 =	sshll.u32 s0, $0x6;
	s4 =	sor.u32 s6, s30  }
0x7: {  	_ =	strace $0x8000004A;
	s9 =	smul.u32 $0x140000, s6;
	s6 =	ssub.s32 $0x2, s6  }
0x8: {  	s12 =	sor.u32 $0x1C02, s12;
	s7 =	smul.u32 $0x500, s4;
	s4 =	sadd.s32 $0x17800, s5  }
0x9: {  	s10 =	sshrl.u32 s8, $0x3;
	s11 =	sshrl.u32 s6, $0x1;
	s8 =	sadd.s32 s8, s9  }
0xa: {  	s10 =	sadd.s32 s10, s5;
	s11 =	ssub.s32 s6, s11;
	s9 =	sshrl.u32 s31, $0x2  }
0xb: {  	s7 =	sadd.s32 s7, s5;
	s8 =	sshrl.u32 s8, $0x3;
	s13 =	sadd.s32 s9, s2  }
0xc: {  	s9 =	smax.u32 s11, $0x1;
	s11 =	simm.s32 $0x2800;
	s8 =	sadd.s32 s8, s5  }
0xd: {  	s5 =	sadd.s32 $0x3800, s7;
	s6 =	sadd.s32 $0xD800, s7;
	s7 =	sadd.s32 $0x3F800, s10  }
0xe: {  	s10 =	simm.s32 $0x2;
	s13 =	sshrl.u32 s13, $0x3;
	s8 =	sadd.s32 $0x67800, s8  }
.LBB2_1:
0xf: {  	[tilespmem:s3], [sflag:$0x2] =	stream.linear.gather [hbm4b:s5+s3], $0x2780, $0x38;
	[tilespmem:$0x1D000] =	vst v63  }
0x10: {  	_ =	swait.ge [sflag:s10], $0x2780  }
0x11: {  	[sflag:s10] =	ssyncset.done $0x0  }
0x12: {  	[sflag:s10] =	ssyncadd.s32 $0xFFFFD880  }
0x13: {  	[tilespmem:s11], [sflag:$0x2] =	stream.linear.gather [hbm4b:s6+s3], $0x2780, $0x38;
	[tilespmem:$0x1D000] =	vst v63  }
0x14: {  	_ =	swait.ge [sflag:s10], $0x2780  }
0x15: {  	[sflag:s10] =	ssyncset.done $0x0  }
0x16: {  	[sflag:s10] =	ssyncadd.s32 $0xFFFFD880  }
0x17: {  	[spmem:s13], [sflag:s12] =	dma.local [hbm:s7], $0x2800  }
0x18: {  	_ =	swait.ge [sflag:s10], $0x2800  }
0x19: {  	[sflag:s10] =	ssyncset.done $0x0  }
0x1a: {  	[sflag:s10] =	ssyncadd.s32 $0xFFFFD800  }
0x1b: {  	s18 =	simm.s32 $0x0;
	[bflag:$0x0] =	sbarrier.arrive $0xFFFF  }
0x1c: {  	[tilespmem:s15], [sflag:$0x1] =	stream.indirect.gather [hbm4b:s4+s14], $0x80, s18, s14, $0xb8;
	[tilespmem:$0x1D000] =	vst v63  }
0x1d: {  	_ =	swait.ge [sflag:s16], $0x4000  }
0x1e: {  	[sflag:s16] =	ssyncset.done $0x0  }
0x1f: {  	s31 =	simm.s32 $0x2800;
	[sflag:s16] =	ssyncadd.s32 $0xFFFFC000  }
0x20: {  	[spmem:s2] =	stream.indirect.scatter.add.f32 [tilespmem:s15], [sflag:$0x2], $0x80, s31, s14, $0xb8;
	[tilespmem:$0x1D000] =	vst v63  }
0x21: {  	_ =	swait.ge [sflag:s10], $0x4000  }
0x22: {  	s19 =	simm.s32 $0x400;
	s18 =	simm.s32 $0x200;
	[sflag:s10] =	ssyncset.done $0x0  }
.LBB2_2:
0x23: {  	s20 =	sshra.s32 s18, $0x2  }
0x24: {  	[sflag:s10] =	ssyncadd.s32 $0xFFFFC000;
	s18 =	smov.u32 s19;
	s21 =	sadd.s32 $0x200, s19  }
0x25: {  	[tilespmem:s15], [sflag:$0x1] =	stream.indirect.gather [hbm4b:s4+s14], $0x80, s20, s14, $0xb8;
	[tilespmem:$0x1D000] =	vst v63  }
0x26: {  	p0 =	sne.s32 s19, $0x9C00;
	_ =	swait.ge [sflag:s16], $0x4000  }
.Ltmp0:
0x27: {  	[sflag:s16] =	ssyncset.done $0x0;
	(pc) =	sbr.rel @p0 .LBB2_2-.Ltmp0, $4  }
0x28: {  	s19 =	sadd.s32 $0x2800, s20;
	[sflag:s16] =	ssyncadd.s32 $0xFFFFC000  }
0x29: {  	[spmem:s2] =	stream.indirect.scatter.add.f32 [tilespmem:s15], [sflag:$0x2], $0x80, s19, s14, $0xb8;
	[tilespmem:$0x1D000] =	vst v63  }
0x2a: {  	_ =	swait.ge [sflag:s10], $0x4000  }
0x2b: {  	s19 =	smov.u32 s21;
	[sflag:s10] =	ssyncset.done $0x0  }
0x2c: {  	s18 =	sshra.s32 s18, $0x2;
	[sflag:s10] =	ssyncadd.s32 $0xFFFFC000  }
0x2d: {  	[tilespmem:s15], [sflag:$0x1] =	stream.indirect.gather [hbm4b:s4+s14], $0x80, s18, s14, $0xb8;
	[tilespmem:$0x1D000] =	vst v63  }
0x2e: {  	_ =	swait.ge [sflag:s16], $0x4000  }
0x2f: {  	[sflag:s16] =	ssyncset.done $0x0  }
0x30: {  	s18 =	sadd.s32 $0x2800, s18;
	[sflag:s16] =	ssyncadd.s32 $0xFFFFC000  }
0x31: {  	[spmem:s2] =	stream.indirect.scatter.add.f32 [tilespmem:s15], [sflag:$0x2], $0x80, s18, s14, $0xb8;
	[tilespmem:$0x1D000] =	vst v63  }
0x32: {  	_ =	swait.ge [sflag:s10], $0x4000  }
0x33: {  	s17 =	sadd.s32 $0x1, s17;
	[sflag:s10] =	ssyncset.done $0x0  }
0x34: {  	p0 =	sne.s32 s17, s9;
	[sflag:s10] =	ssyncadd.s32 $0xFFFFC000  }
.Ltmp1:
0x35: {  	[bflag:$0x0] =	sbarrier.arrive $0xFFFF;
	(pc) =	sbr.rel @p0 .LBB2_1-.Ltmp1, $4  }
0x36: {  	[hbm:s8], [sflag:s12] =	dma.local [spmem:s13], $0x2800  }
0x37: {  	_ =	swait.ge [sflag:s10], $0x2800  }
0x38: {  	[sflag:s10] =	ssyncset.done $0x0  }
0x39: {  	[sflag:s10] =	ssyncadd.s32 $0xFFFFD800  }
0x3a: {  	_ =	sfence.sel $0x180000  }
0x3b: {  	[bflag:$0x0] =	sbarrier.arrive $0xFFFF  }
0x3c: {  	p0 =	sne.s32 s0, $0x0;
	_ =	strace $0x9000004A  }
0x3d: {  	s0 =	sadd.s32 @!p0 $0x100000, s1;
	[bflag:$0x2] =	sbarrier.arrive $0xFFFF  }
0x3e: {  	[sflag:s0] =	ssyncadd.tile.s32 @!p0 $0x1;
	_ =	shalt  }
.Lfunc_end2:
_tile_overlayer_lowered:
.L_overlay_start_2:
0x3f: {  	(tag) =	ssettag $0x2  }
0x40: {  	s0 =	rddreg [dreg:$0x0];
	s2 =	stileid.u32  }
0x41: {  	s1 =	rddreg [dreg:$0x1];
	p0 =	sne.s32 s2, $0x0  }
0x42: {  	s3 =	rddreg [dreg:$0x2];
	[bflag:$0x3] =	sbarrier.arrive $0xFFFF;
	s2 =	simm.s32 @!p0 $0x1C02  }
0x43: {  	[timem:s3], [sflag:s2] =	dma.local @!p0 [hbm:s0], s1  }
0x44: {  	s0 =	simm.s32 @!p0 $0x2  }
0x45: {  	_ =	swait.ge @!p0 [sflag:s0], s1  }
0x46: {  	s1 =	ssub.s32 @!p0 $0x0, s1;
	[sflag:s0] =	ssyncset.done @!p0 $0x0  }
0x47: {  	[sflag:s0] =	ssyncadd.s32 @!p0 s1  }
0x48: {  	[bflag:$0x3] =	sbarrier.arrive $0xFFFF  }
0x49: {  	_ =	shalt  }

// kernel: kernel.17.cloned.1.call-start
scs
__scs_entry_jumppad:
0x0: {  	(pc) =	sbr.rel $0x88, $3  }
0x1: {  	(tag) =	ssettag $0x0;
	lr =	simm.s32 $0x1  }
0x2: {  	[smem:$0x3F93] =	sst lr;
	_ =	strace $0xD0000000  }
0x3: {  	_ = 	snop  }
0x4: {  	_ = 	snop  }
0x5: {  	_ = 	snop  }
0x6: {  	_ = 	snop  }
0x7: {  	_ = 	snop  }
__scs_overlays_trampoline_lowered:
0x8: {  	[smem:$0x3FA2] =	sst s0  }
0x9: {  	[smem:$0x3FA3] =	sst s1  }
0xa: {  	[smem:$0x3FA4] =	sst s2  }
0xb: {  	[smem:$0x3FA5] =	sst s3  }
0xc: {  	[smem:$0x3FA6] =	sst s4  }
0xd: {  	[smem:$0x3FA7] =	sst s5  }
0xe: {  	[smem:$0x3FA8] =	sst s6  }
0xf: {  	[smem:$0x3FA9] =	sst s7  }
0x10: {  	[smem:$0x3FAA] =	sst s8  }
0x11: {  	[smem:$0x3FAB] =	sst s9;
	s0 =	simm.s32 @!p0 $0x0  }
0x12: {  	s1 =	sld [smem:$0x3F91];
	s0 =	simm.s32 @p0 $0x1  }
0x13: {  	[smem:$0x3FAC] =	sst s0;
	s0 =	simm.s32 @!p1 $0x0  }
0x14: {  	s2 =	sld [smem:$0x3F90];
	s0 =	simm.s32 @p1 $0x1  }
0x15: {  	[smem:$0x3FAD] =	sst s0;
	s0 =	simm.s32 @!p2 $0x0  }
0x16: {  	s3 =	sld [smem:$0x3FDB];
	s0 =	simm.s32 @p2 $0x1  }
0x17: {  	s4 =	simm.s32 $0x1BF5;
	[smem:$0x3FAF] =	sst s0  }
0x18: {  	s0 =	sld [smem:$0x3F92];
	_ =	swait.ge [sflag:s4], $0x0  }
0x19: {  	s7 =	sld [smem:$0x3F93]  }
0x1a: {  	s8 =	sadd.s32 $0xFFFFE003, lr  }
0x1b: {  	s9 =	sadd.s32 $0xFFFFFEF7, lr;
	s5 =	simm.s32 $0xFFFFFFFF;
	p2 =	slt.u32 s8, $0xFFFFF086  }
0x1c: {  	p1 =	slt.u32 s9, $0xF7A;
	s5 =	simm.s32 @!p2 $0x0  }
0x1d: {  	s5 =	simm.s32 @p1 $0x1;
	p0 =	seq.s32 s7, s2  }
0x1e: {  	s7 =	smul.u32 @!p0 $0xF7A, s2;
	p2 =	seq.s32 @!p0 s5, $0x0  }
0x1f: {  	s9 =	smul.u32 $0xF7A, s1;
	s8 =	simm.s32 @!p0 $0x1BF5;
	p2 =	por !p2, p0  }
0x20: {  	[sflag:s8] =	ssyncset.s32 @!p0 $0xFFFFF086;
	s6 =	sadd.s32 @!p0 s3, s7;
	s7 =	simm.s32 @!p0 $0x108  }
0x21: {  	s3 =	sadd.s32 s3, s9;
	s6 =	sadd.s32 @!p0 $0x88, s6;
	s7 =	simm.s32 @p2 $0x1082  }
0x22: {  	[simem:s7], [sflag:s8] =	dma.local @!p0 [hbm:s6], $0xF7A  }
0x23: {  	s9 =	sor.u32 $0xD0000000, s2;
	s6 =	simm.s32 $0x108;
	_ =	swait.ge @!p0 [sflag:s8], $0x0  }
0x24: {  	s3 =	sadd.s32 $0x88, s3;
	s6 =	simm.s32 @!p1 $0x1082;
	[sflag:s4] =	ssyncset.s32 $0xFFFFF086  }
0x25: {  	[simem:s6], [sflag:s4] =	dma.local [hbm:s3], $0xF7A  }
0x26: {  	[smem:$0x3F93] =	sst s1;
	(tag) =	ssettag s2;
	_ =	strace s9  }
0x27: {  	s1 =	sld [smem:$0x3FA3]  }
0x28: {  	s2 =	sld [smem:$0x3FA4]  }
0x29: {  	s4 =	sld [smem:$0x3FA6]  }
0x2a: {  	p0 =	seq.s32 s5, $0x0;
	s5 =	sld [smem:$0x3FA7]  }
0x2b: {  	s6 =	sld [smem:$0x3FA8]  }
0x2c: {  	s7 =	sld [smem:$0x3FA9]  }
0x2d: {  	s3 =	simm.s32 $0x108;
	s8 =	sld [smem:$0x3FAA]  }
0x2e: {  	s3 =	simm.s32 @!p0 $0x1082;
	s9 =	sld [smem:$0x3FAB]  }
0x2f: {  	lr =	sadd.s32 s0, s3;
	s0 =	sld [smem:$0x3FA2]  }
0x30: {  	s3 =	sld [smem:$0x3FA5]  }
0x31: {  	[smem:$0x3FAE] =	sst s10  }
0x32: {  	s10 =	sld [smem:$0x3FAC];
	_ =	sdelay $0x3  }
0x33: {  	p0 =	seq.s32 s10, $0x1;
	s10 =	sld [smem:$0x3FAE];
	_ =	sdelay $0x3  }
0x34: {  	[smem:$0x3FAE] =	sst s10  }
0x35: {  	s10 =	sld [smem:$0x3FAD];
	_ =	sdelay $0x3  }
0x36: {  	p1 =	seq.s32 s10, $0x1;
	s10 =	sld [smem:$0x3FAE];
	_ =	sdelay $0x3  }
0x37: {  	[smem:$0x3FAE] =	sst s10  }
0x38: {  	s10 =	sld [smem:$0x3FAF]  }
0x39: {  	_ = 	snop;
	(pc) =	sbr.ind lr, $3  }
0x3a: {  	_ = 	snop  }
0x3b: {  	_ = 	snop  }
0x3c: {  	p2 =	seq.s32 s10, $0x1;
	s10 =	sld [smem:$0x3FAE]  }
0x3d: {  	_ =	shalt  }
0x3e: {  	_ =	shalt  }
0x3f: {  	_ =	shalt  }
0x40: {  	_ =	shalt  }
0x41: {  	_ =	shalt  }
0x42: {  	_ =	shalt  }
0x43: {  	_ =	shalt  }
0x44: {  	_ =	shalt  }
0x45: {  	_ =	shalt  }
0x46: {  	_ =	shalt  }
0x47: {  	_ =	shalt  }
0x48: {  	_ =	shalt  }
0x49: {  	_ =	shalt  }
0x4a: {  	_ =	shalt  }
0x4b: {  	_ =	shalt  }
0x4c: {  	_ =	shalt  }
0x4d: {  	_ =	shalt  }
0x4e: {  	_ =	shalt  }
0x4f: {  	_ =	shalt  }
0x50: {  	_ =	shalt  }
0x51: {  	_ =	shalt  }
0x52: {  	_ =	shalt  }
0x53: {  	_ =	shalt  }
0x54: {  	_ =	shalt  }
0x55: {  	_ =	shalt  }
0x56: {  	_ =	shalt  }
0x57: {  	_ =	shalt  }
0x58: {  	_ =	shalt  }
0x59: {  	_ =	shalt  }
0x5a: {  	_ =	shalt  }
0x5b: {  	_ =	shalt  }
0x5c: {  	_ =	shalt  }
0x5d: {  	_ =	shalt  }
0x5e: {  	_ =	shalt  }
0x5f: {  	_ =	shalt  }
0x60: {  	_ =	shalt  }
0x61: {  	_ =	shalt  }
0x62: {  	_ =	shalt  }
0x63: {  	_ =	shalt  }
0x64: {  	_ =	shalt  }
0x65: {  	_ =	shalt  }
0x66: {  	_ =	shalt  }
0x67: {  	_ =	shalt  }
0x68: {  	_ =	shalt  }
0x69: {  	_ =	shalt  }
0x6a: {  	_ =	shalt  }
0x6b: {  	_ =	shalt  }
0x6c: {  	_ =	shalt  }
0x6d: {  	_ =	shalt  }
0x6e: {  	_ =	shalt  }
0x6f: {  	_ =	shalt  }
0x70: {  	_ =	shalt  }
0x71: {  	_ =	shalt  }
0x72: {  	_ =	shalt  }
0x73: {  	_ =	shalt  }
0x74: {  	_ =	shalt  }
0x75: {  	_ =	shalt  }
0x76: {  	_ =	shalt  }
0x77: {  	_ =	shalt  }
0x78: {  	_ =	shalt  }
0x79: {  	_ =	shalt  }
0x7a: {  	_ =	shalt  }
0x7b: {  	_ =	shalt  }
0x7c: {  	_ =	shalt  }
0x7d: {  	_ =	shalt  }
0x7e: {  	_ =	shalt  }
0x7f: {  	_ =	shalt  }
0x80: {  	_ =	shalt  }
0x81: {  	_ =	shalt  }
0x82: {  	_ =	shalt  }
0x83: {  	_ =	shalt  }
0x84: {  	_ =	shalt  }
0x85: {  	_ =	shalt  }
0x86: {  	_ =	shalt  }
0x87: {  	_ =	shalt  }
.Lfunc_end0:
.L_simem_size_0:
called_computation.2_lowered:
.L_overlay_start_0:
0x88: {  	s2 =	sld [smem:$0x3FD9]  }
0x89: {  	s3 =	sld [smem:$0x3FFE];
	_ =	sdelay $0x1  }
0x8a: {  	s1 =	srdreg.scid  }
0x8b: {  	s0 =	sand.u32 $0x1, s1  }
0x8c: {  	s16 =	sshll.u32 s0, $0xA;
	s2 =	sadd.s32 s3, s2  }
0x8d: {  	s2 =	sadd.s32 s2, s16  }
0x8e: {  	[smem:$0x3FBA] =	sst s2  }
0x8f: {  	_ = 	snop  }
0x90: {  	(tm) =	ssettm $0x1  }
0x91: {  	s17 =	sld [smem:$0x3FFB];
	_ =	sdelay $0x3  }
0x92: {  	_ =	strace s17  }
0x93: {  	s2 =	sld [smem:$0x3FFC];
	_ =	sdelay $0x3  }
0x94: {  	_ =	strace s2  }
0x95: {  	s2 =	sld [smem:$0x3FFD];
	_ =	sdelay $0x3  }
0x96: {  	_ =	strace s2  }
0x97: {  	_ =	strace $0x8FFFFFFF  }
0x98: {  	s18 =	sld [smem:$0x3FDB];
	_ =	sdelay $0x1  }
0x99: {  	s19 =	simm.s32 $_scs_section_size  }
0x9a: {  	s4 =	simm.s32 $_size__tile_overlayer_lowered;
	s5 =	simm.s32 $_tile_overlayer_lowered  }
0x9b: {  	s22 =	simm.s32 $0x1BFF;
	s21 =	sshll.u32 s5, $0x1;
	s2 =	sadd.s32 s19, s18  }
0x9c: {  	s6 =	simm.s32 $0x0;
	s20 =	sshll.u32 s4, $0x1;
	s4 =	sadd.s32 s21, s2  }
0x9d: {  	[timem:s6], [sflag:s22] =	dma.local [hbm:s4], s20  }
0x9e: {  	_ =	swait.ge [sflag:s22], s20  }
0x9f: {  	s3 =	ssub.s32 $0x0, s20;
	[sflag:s22] =	ssyncset.done $0x0  }
0xa0: {  	[sflag:s22] =	ssyncadd.s32 s3;
	_ =	sdelay $0x1  }
0xa1: {  	s23 =	simm.s32 $0x1B8B  }
0xa2: {  	_ =	swait.ge [sflag:s23], $0x1  }
0xa3: {  	[sflag:s23] =	ssyncset.done $0x0  }
0xa4: {  	s25 =	simm.s32 $0x1B8E;
	s24 =	sld [smem:$0x3FFE];
	[sflag:s23] =	ssyncadd.s32 $0xFFFFFFFF  }
0xa5: {  	s26 =	simm.s32 $execute0_lowered;
	[smem:$0x3FD2] =	sst s25  }
0xa6: {  	s4 =	sshll.u32 s26, $0x1;
	_ =	strace $0x8000004C;
	[dreg:$0x1] =	wrdreg $0xFFFFFFFF  }
0xa7: {  	s28 =	simm.s32 $_size_execute0_lowered;
	s2 =	sadd.s32 s2, s4;
	[dreg:$0x0] =	wrdreg $0x0  }
0xa8: {  	s4 =	sshll.u32 s28, $0x1;
	[dreg:$0x2] =	wrdreg s2  }
0xa9: {  	[dreg:$0x3] =	wrdreg s4  }
0xaa: {  	[dreg:$0x4] =	wrdreg $0xC0  }
0xab: {  	_ =	task [dreg:s6], $0x5FFFF  }
0xac: {  	[dreg:$0x1] =	wrdreg $0xFFFFFFFF  }
0xad: {  	[dreg:$0x0] =	wrdreg $0x60  }
0xae: {  	[dreg:$0x2] =	wrdreg s24  }
0xaf: {  	[dreg:$0x3] =	wrdreg $0x90000  }
0xb0: {  	[dreg:$0x4] =	wrdreg $0x9  }
0xb1: {  	_ =	task.clear_ibuf [dreg:s6], $0x5FFFF;
	_ =	strace $0x9000004C  }
0xb2: {  	s29 =	simm.s32 $0x9;
	_ =	strace $0x8000004E  }
0xb3: {  	_ =	swait.ge [sflag:s29], $0x1  }
0xb4: {  	[sflag:s29] =	ssyncadd.s32 $0xFFFFFFFF  }
0xb5: {  	_ =	strace $0x9000004E  }
0xb6: {  	_ =	sfence  }
0xb7: {  	s30 =	sld [smem:$0x0];
	_ =	sdelay $0x2  }
0xb8: {  	s31 =	sshll.u32 s1, $0xD;
	s1 =	sshrl.u32 s1, $0x2  }
0xb9: {  	s3 =	sand.u32 $0x4000, s31;
	s1 =	sadd.s32 s1, s30  }
0xba: {  	s0 =	sor.u32 s3, s0;
	s1 =	sshll.u32 s1, $0x11  }
0xbb: {  	s0 =	sor.u32 s1, s0  }
0xbc: {  	s0 =	sadd.s32 $0x8F2B, s0  }
0xbd: {  	[sflag:s0] =	ssyncadd.remote.s32 $0x1  }
0xbe: {  	_ =	sfence.sel $0xFFFF  }
0xbf: {  	[dreg:$0x0] =	wrdreg $0xFFFFFFFF;
	(pc) =	sbr.abs _section_cstart, $3  }
0xc0: {  	[dreg:$0x1] =	wrdreg $0xFFFFFFFF  }
0xc1: {  	_ =	task.clear_ibuf [dreg:s6], $0x2FFFF;
	_ =	strace $0x9FFFFFFF  }
0xc2: {  	(tm) =	ssettm $0x7FFFFFFF  }
0xc3: {  	_ =	shalt  }
tec
execute0_lowered:
.L_overlay_start_1:
0x0: {  	(tag) =	ssettag $0x1  }
0x1: {  	s1 =	srdreg.scid;
	s5 =	rddreg [dreg:$0x0]  }
0x2: {  	s0 =	stileid.u32;
	s2 =	rddreg [dreg:$0x1];
	s3 =	simm.s32 $0x0  }
0x3: {  	s14 =	simm.s32 $0x80;
	s15 =	simm.s32 $0x5000;
	s16 =	simm.s32 $0x1  }
0x4: {  	s17 =	simm.s32 $0x0;
	s6 =	sand.u32 $0x1, s1;
	s1 =	rddreg [dreg:$0x2]  }
0x5: {  	s30 =	sshll.u32 s0, $0x1;
	[smem:$0x7FF] =	sst s3;
	s8 =	smul.u32 $0x14000, s0  }
0x6: {  	s31 =	smul.u32 $0x50000, s0;
	s12 =	sshll.u32 s0, $0x6;
	s4 =	sor.u32 s6, s30  }
0x7: {  	_ =	strace $0x8000004D;
	s9 =	smul.u32 $0x140000, s6;
	s6 =	ssub.s32 $0x2, s6  }
0x8: {  	s12 =	sor.u32 $0x1C02, s12;
	s7 =	smul.u32 $0x500, s4;
	s4 =	sadd.s32 $0x17800, s5  }
0x9: {  	s10 =	sshrl.u32 s8, $0x3;
	s11 =	sshrl.u32 s6, $0x1;
	s8 =	sadd.s32 s8, s9  }
0xa: {  	s10 =	sadd.s32 s10, s5;
	s11 =	ssub.s32 s6, s11;
	s9 =	sshrl.u32 s31, $0x2  }
0xb: {  	s7 =	sadd.s32 s7, s5;
	s8 =	sshrl.u32 s8, $0x3;
	s13 =	sadd.s32 s9, s2  }
0xc: {  	s9 =	smax.u32 s11, $0x1;
	s11 =	simm.s32 $0x2800;
	s8 =	sadd.s32 s8, s5  }
0xd: {  	s5 =	sadd.s32 $0x3800, s7;
	s6 =	sadd.s32 $0xD800, s7;
	s7 =	sadd.s32 $0x3F800, s10  }
0xe: {  	s10 =	simm.s32 $0x2;
	s13 =	sshrl.u32 s13, $0x3;
	s8 =	sadd.s32 $0x67800, s8  }
.LBB2_1:
0xf: {  	[tilespmem:s3], [sflag:$0x2] =	stream.linear.gather [hbm4b:s5+s3], $0x2780, $0x38;
	[tilespmem:$0x1D000] =	vst v63  }
0x10: {  	_ =	swait.ge [sflag:s10], $0x2780  }
0x11: {  	[sflag:s10] =	ssyncset.done $0x0  }
0x12: {  	[sflag:s10] =	ssyncadd.s32 $0xFFFFD880  }
0x13: {  	[tilespmem:s11], [sflag:$0x2] =	stream.linear.gather [hbm4b:s6+s3], $0x2780, $0x38;
	[tilespmem:$0x1D000] =	vst v63  }
0x14: {  	_ =	swait.ge [sflag:s10], $0x2780  }
0x15: {  	[sflag:s10] =	ssyncset.done $0x0  }
0x16: {  	[sflag:s10] =	ssyncadd.s32 $0xFFFFD880  }
0x17: {  	[spmem:s13], [sflag:s12] =	dma.local [hbm:s7], $0x2800  }
0x18: {  	_ =	swait.ge [sflag:s10], $0x2800  }
0x19: {  	[sflag:s10] =	ssyncset.done $0x0  }
0x1a: {  	[sflag:s10] =	ssyncadd.s32 $0xFFFFD800  }
0x1b: {  	s18 =	simm.s32 $0x0;
	[bflag:$0x0] =	sbarrier.arrive $0xFFFF  }
0x1c: {  	[tilespmem:s15], [sflag:$0x1] =	stream.indirect.gather [hbm4b:s4+s14], $0x80, s18, s14, $0xb8;
	[tilespmem:$0x1D000] =	vst v63  }
0x1d: {  	_ =	swait.ge [sflag:s16], $0x4000  }
0x1e: {  	[sflag:s16] =	ssyncset.done $0x0  }
0x1f: {  	s31 =	simm.s32 $0x2800;
	[sflag:s16] =	ssyncadd.s32 $0xFFFFC000  }
0x20: {  	[spmem:s2] =	stream.indirect.scatter.add.f32 [tilespmem:s15], [sflag:$0x2], $0x80, s31, s14, $0xb8;
	[tilespmem:$0x1D000] =	vst v63  }
0x21: {  	_ =	swait.ge [sflag:s10], $0x4000  }
0x22: {  	s19 =	simm.s32 $0x400;
	s18 =	simm.s32 $0x200;
	[sflag:s10] =	ssyncset.done $0x0  }
.LBB2_2:
0x23: {  	s20 =	sshra.s32 s18, $0x2  }
0x24: {  	[sflag:s10] =	ssyncadd.s32 $0xFFFFC000;
	s18 =	smov.u32 s19;
	s21 =	sadd.s32 $0x200, s19  }
0x25: {  	[tilespmem:s15], [sflag:$0x1] =	stream.indirect.gather [hbm4b:s4+s14], $0x80, s20, s14, $0xb8;
	[tilespmem:$0x1D000] =	vst v63  }
0x26: {  	p0 =	sne.s32 s19, $0x9C00;
	_ =	swait.ge [sflag:s16], $0x4000  }
.Ltmp0:
0x27: {  	[sflag:s16] =	ssyncset.done $0x0;
	(pc) =	sbr.rel @p0 .LBB2_2-.Ltmp0, $4  }
0x28: {  	s19 =	sadd.s32 $0x2800, s20;
	[sflag:s16] =	ssyncadd.s32 $0xFFFFC000  }
0x29: {  	[spmem:s2] =	stream.indirect.scatter.add.f32 [tilespmem:s15], [sflag:$0x2], $0x80, s19, s14, $0xb8;
	[tilespmem:$0x1D000] =	vst v63  }
0x2a: {  	_ =	swait.ge [sflag:s10], $0x4000  }
0x2b: {  	s19 =	smov.u32 s21;
	[sflag:s10] =	ssyncset.done $0x0  }
0x2c: {  	s18 =	sshra.s32 s18, $0x2;
	[sflag:s10] =	ssyncadd.s32 $0xFFFFC000  }
0x2d: {  	[tilespmem:s15], [sflag:$0x1] =	stream.indirect.gather [hbm4b:s4+s14], $0x80, s18, s14, $0xb8;
	[tilespmem:$0x1D000] =	vst v63  }
0x2e: {  	_ =	swait.ge [sflag:s16], $0x4000  }
0x2f: {  	[sflag:s16] =	ssyncset.done $0x0  }
0x30: {  	s18 =	sadd.s32 $0x2800, s18;
	[sflag:s16] =	ssyncadd.s32 $0xFFFFC000  }
0x31: {  	[spmem:s2] =	stream.indirect.scatter.add.f32 [tilespmem:s15], [sflag:$0x2], $0x80, s18, s14, $0xb8;
	[tilespmem:$0x1D000] =	vst v63  }
0x32: {  	_ =	swait.ge [sflag:s10], $0x4000  }
0x33: {  	s17 =	sadd.s32 $0x1, s17;
	[sflag:s10] =	ssyncset.done $0x0  }
0x34: {  	p0 =	sne.s32 s17, s9;
	[sflag:s10] =	ssyncadd.s32 $0xFFFFC000  }
.Ltmp1:
0x35: {  	[bflag:$0x0] =	sbarrier.arrive $0xFFFF;
	(pc) =	sbr.rel @p0 .LBB2_1-.Ltmp1, $4  }
0x36: {  	[hbm:s8], [sflag:s12] =	dma.local [spmem:s13], $0x2800  }
0x37: {  	_ =	swait.ge [sflag:s10], $0x2800  }
0x38: {  	[sflag:s10] =	ssyncset.done $0x0  }
0x39: {  	[sflag:s10] =	ssyncadd.s32 $0xFFFFD800  }
0x3a: {  	_ =	sfence.sel $0x180000  }
0x3b: {  	[bflag:$0x0] =	sbarrier.arrive $0xFFFF  }
0x3c: {  	p0 =	sne.s32 s0, $0x0;
	_ =	strace $0x9000004D  }
0x3d: {  	s0 =	sadd.s32 @!p0 $0x100000, s1;
	[bflag:$0x2] =	sbarrier.arrive $0xFFFF  }
0x3e: {  	[sflag:s0] =	ssyncadd.tile.s32 @!p0 $0x1;
	_ =	shalt  }
.Lfunc_end2:
_tile_overlayer_lowered:
.L_overlay_start_2:
0x3f: {  	(tag) =	ssettag $0x2  }
0x40: {  	s0 =	rddreg [dreg:$0x0];
	s2 =	stileid.u32  }
0x41: {  	s1 =	rddreg [dreg:$0x1];
	p0 =	sne.s32 s2, $0x0  }
0x42: {  	s3 =	rddreg [dreg:$0x2];
	[bflag:$0x3] =	sbarrier.arrive $0xFFFF;
	s2 =	simm.s32 @!p0 $0x1C02  }
0x43: {  	[timem:s3], [sflag:s2] =	dma.local @!p0 [hbm:s0], s1  }
0x44: {  	s0 =	simm.s32 @!p0 $0x2  }
0x45: {  	_ =	swait.ge @!p0 [sflag:s0], s1  }
0x46: {  	s1 =	ssub.s32 @!p0 $0x0, s1;
	[sflag:s0] =	ssyncset.done @!p0 $0x0  }
0x47: {  	[sflag:s0] =	ssyncadd.s32 @!p0 s1  }
0x48: {  	[bflag:$0x3] =	sbarrier.arrive $0xFFFF  }
0x49: {  	_ =	shalt  }

// kernel: kernel.20.cloned.1.call-start
scs
__scs_entry_jumppad:
0x0: {  	(pc) =	sbr.rel $0x88, $3  }
0x1: {  	(tag) =	ssettag $0x0;
	lr =	simm.s32 $0x1  }
0x2: {  	[smem:$0x3F93] =	sst lr;
	_ =	strace $0xD0000000  }
0x3: {  	_ = 	snop  }
0x4: {  	_ = 	snop  }
0x5: {  	_ = 	snop  }
0x6: {  	_ = 	snop  }
0x7: {  	_ = 	snop  }
__scs_overlays_trampoline_lowered:
0x8: {  	[smem:$0x3FA2] =	sst s0  }
0x9: {  	[smem:$0x3FA3] =	sst s1  }
0xa: {  	[smem:$0x3FA4] =	sst s2  }
0xb: {  	[smem:$0x3FA5] =	sst s3  }
0xc: {  	[smem:$0x3FA6] =	sst s4  }
0xd: {  	[smem:$0x3FA7] =	sst s5  }
0xe: {  	[smem:$0x3FA8] =	sst s6  }
0xf: {  	[smem:$0x3FA9] =	sst s7  }
0x10: {  	[smem:$0x3FAA] =	sst s8  }
0x11: {  	[smem:$0x3FAB] =	sst s9;
	s0 =	simm.s32 @!p0 $0x0  }
0x12: {  	s1 =	sld [smem:$0x3F91];
	s0 =	simm.s32 @p0 $0x1  }
0x13: {  	[smem:$0x3FAC] =	sst s0;
	s0 =	simm.s32 @!p1 $0x0  }
0x14: {  	s2 =	sld [smem:$0x3F90];
	s0 =	simm.s32 @p1 $0x1  }
0x15: {  	[smem:$0x3FAD] =	sst s0;
	s0 =	simm.s32 @!p2 $0x0  }
0x16: {  	s3 =	sld [smem:$0x3FDB];
	s0 =	simm.s32 @p2 $0x1  }
0x17: {  	s4 =	simm.s32 $0x1BF5;
	[smem:$0x3FAF] =	sst s0  }
0x18: {  	s0 =	sld [smem:$0x3F92];
	_ =	swait.ge [sflag:s4], $0x0  }
0x19: {  	s7 =	sld [smem:$0x3F93]  }
0x1a: {  	s8 =	sadd.s32 $0xFFFFE003, lr  }
0x1b: {  	s9 =	sadd.s32 $0xFFFFFEF7, lr;
	s5 =	simm.s32 $0xFFFFFFFF;
	p2 =	slt.u32 s8, $0xFFFFF086  }
0x1c: {  	p1 =	slt.u32 s9, $0xF7A;
	s5 =	simm.s32 @!p2 $0x0  }
0x1d: {  	s5 =	simm.s32 @p1 $0x1;
	p0 =	seq.s32 s7, s2  }
0x1e: {  	s7 =	smul.u32 @!p0 $0xF7A, s2;
	p2 =	seq.s32 @!p0 s5, $0x0  }
0x1f: {  	s9 =	smul.u32 $0xF7A, s1;
	s8 =	simm.s32 @!p0 $0x1BF5;
	p2 =	por !p2, p0  }
0x20: {  	[sflag:s8] =	ssyncset.s32 @!p0 $0xFFFFF086;
	s6 =	sadd.s32 @!p0 s3, s7;
	s7 =	simm.s32 @!p0 $0x108  }
0x21: {  	s3 =	sadd.s32 s3, s9;
	s6 =	sadd.s32 @!p0 $0x88, s6;
	s7 =	simm.s32 @p2 $0x1082  }
0x22: {  	[simem:s7], [sflag:s8] =	dma.local @!p0 [hbm:s6], $0xF7A  }
0x23: {  	s9 =	sor.u32 $0xD0000000, s2;
	s6 =	simm.s32 $0x108;
	_ =	swait.ge @!p0 [sflag:s8], $0x0  }
0x24: {  	s3 =	sadd.s32 $0x88, s3;
	s6 =	simm.s32 @!p1 $0x1082;
	[sflag:s4] =	ssyncset.s32 $0xFFFFF086  }
0x25: {  	[simem:s6], [sflag:s4] =	dma.local [hbm:s3], $0xF7A  }
0x26: {  	[smem:$0x3F93] =	sst s1;
	(tag) =	ssettag s2;
	_ =	strace s9  }
0x27: {  	s1 =	sld [smem:$0x3FA3]  }
0x28: {  	s2 =	sld [smem:$0x3FA4]  }
0x29: {  	s4 =	sld [smem:$0x3FA6]  }
0x2a: {  	p0 =	seq.s32 s5, $0x0;
	s5 =	sld [smem:$0x3FA7]  }
0x2b: {  	s6 =	sld [smem:$0x3FA8]  }
0x2c: {  	s7 =	sld [smem:$0x3FA9]  }
0x2d: {  	s3 =	simm.s32 $0x108;
	s8 =	sld [smem:$0x3FAA]  }
0x2e: {  	s3 =	simm.s32 @!p0 $0x1082;
	s9 =	sld [smem:$0x3FAB]  }
0x2f: {  	lr =	sadd.s32 s0, s3;
	s0 =	sld [smem:$0x3FA2]  }
0x30: {  	s3 =	sld [smem:$0x3FA5]  }
0x31: {  	[smem:$0x3FAE] =	sst s10  }
0x32: {  	s10 =	sld [smem:$0x3FAC];
	_ =	sdelay $0x3  }
0x33: {  	p0 =	seq.s32 s10, $0x1;
	s10 =	sld [smem:$0x3FAE];
	_ =	sdelay $0x3  }
0x34: {  	[smem:$0x3FAE] =	sst s10  }
0x35: {  	s10 =	sld [smem:$0x3FAD];
	_ =	sdelay $0x3  }
0x36: {  	p1 =	seq.s32 s10, $0x1;
	s10 =	sld [smem:$0x3FAE];
	_ =	sdelay $0x3  }
0x37: {  	[smem:$0x3FAE] =	sst s10  }
0x38: {  	s10 =	sld [smem:$0x3FAF]  }
0x39: {  	_ = 	snop;
	(pc) =	sbr.ind lr, $3  }
0x3a: {  	_ = 	snop  }
0x3b: {  	_ = 	snop  }
0x3c: {  	p2 =	seq.s32 s10, $0x1;
	s10 =	sld [smem:$0x3FAE]  }
0x3d: {  	_ =	shalt  }
0x3e: {  	_ =	shalt  }
0x3f: {  	_ =	shalt  }
0x40: {  	_ =	shalt  }
0x41: {  	_ =	shalt  }
0x42: {  	_ =	shalt  }
0x43: {  	_ =	shalt  }
0x44: {  	_ =	shalt  }
0x45: {  	_ =	shalt  }
0x46: {  	_ =	shalt  }
0x47: {  	_ =	shalt  }
0x48: {  	_ =	shalt  }
0x49: {  	_ =	shalt  }
0x4a: {  	_ =	shalt  }
0x4b: {  	_ =	shalt  }
0x4c: {  	_ =	shalt  }
0x4d: {  	_ =	shalt  }
0x4e: {  	_ =	shalt  }
0x4f: {  	_ =	shalt  }
0x50: {  	_ =	shalt  }
0x51: {  	_ =	shalt  }
0x52: {  	_ =	shalt  }
0x53: {  	_ =	shalt  }
0x54: {  	_ =	shalt  }
0x55: {  	_ =	shalt  }
0x56: {  	_ =	shalt  }
0x57: {  	_ =	shalt  }
0x58: {  	_ =	shalt  }
0x59: {  	_ =	shalt  }
0x5a: {  	_ =	shalt  }
0x5b: {  	_ =	shalt  }
0x5c: {  	_ =	shalt  }
0x5d: {  	_ =	shalt  }
0x5e: {  	_ =	shalt  }
0x5f: {  	_ =	shalt  }
0x60: {  	_ =	shalt  }
0x61: {  	_ =	shalt  }
0x62: {  	_ =	shalt  }
0x63: {  	_ =	shalt  }
0x64: {  	_ =	shalt  }
0x65: {  	_ =	shalt  }
0x66: {  	_ =	shalt  }
0x67: {  	_ =	shalt  }
0x68: {  	_ =	shalt  }
0x69: {  	_ =	shalt  }
0x6a: {  	_ =	shalt  }
0x6b: {  	_ =	shalt  }
0x6c: {  	_ =	shalt  }
0x6d: {  	_ =	shalt  }
0x6e: {  	_ =	shalt  }
0x6f: {  	_ =	shalt  }
0x70: {  	_ =	shalt  }
0x71: {  	_ =	shalt  }
0x72: {  	_ =	shalt  }
0x73: {  	_ =	shalt  }
0x74: {  	_ =	shalt  }
0x75: {  	_ =	shalt  }
0x76: {  	_ =	shalt  }
0x77: {  	_ =	shalt  }
0x78: {  	_ =	shalt  }
0x79: {  	_ =	shalt  }
0x7a: {  	_ =	shalt  }
0x7b: {  	_ =	shalt  }
0x7c: {  	_ =	shalt  }
0x7d: {  	_ =	shalt  }
0x7e: {  	_ =	shalt  }
0x7f: {  	_ =	shalt  }
0x80: {  	_ =	shalt  }
0x81: {  	_ =	shalt  }
0x82: {  	_ =	shalt  }
0x83: {  	_ =	shalt  }
0x84: {  	_ =	shalt  }
0x85: {  	_ =	shalt  }
0x86: {  	_ =	shalt  }
0x87: {  	_ =	shalt  }
.Lfunc_end0:
.L_simem_size_0:
called_computation.3_lowered:
.L_overlay_start_0:
0x88: {  	s2 =	sld [smem:$0x3FD9]  }
0x89: {  	s3 =	sld [smem:$0x3FFE];
	_ =	sdelay $0x1  }
0x8a: {  	s1 =	srdreg.scid  }
0x8b: {  	s0 =	sand.u32 $0x1, s1  }
0x8c: {  	s16 =	sshll.u32 s0, $0xA;
	s2 =	sadd.s32 s3, s2  }
0x8d: {  	s2 =	sadd.s32 s2, s16  }
0x8e: {  	[smem:$0x3FBA] =	sst s2  }
0x8f: {  	_ = 	snop  }
0x90: {  	(tm) =	ssettm $0x1  }
0x91: {  	s17 =	sld [smem:$0x3FFB];
	_ =	sdelay $0x3  }
0x92: {  	_ =	strace s17  }
0x93: {  	s2 =	sld [smem:$0x3FFC];
	_ =	sdelay $0x3  }
0x94: {  	_ =	strace s2  }
0x95: {  	s2 =	sld [smem:$0x3FFD];
	_ =	sdelay $0x3  }
0x96: {  	_ =	strace s2  }
0x97: {  	_ =	strace $0x8FFFFFFF  }
0x98: {  	s18 =	sld [smem:$0x3FDB];
	_ =	sdelay $0x1  }
0x99: {  	s19 =	simm.s32 $_scs_section_size  }
0x9a: {  	s4 =	simm.s32 $_size__tile_overlayer_lowered;
	s5 =	simm.s32 $_tile_overlayer_lowered  }
0x9b: {  	s22 =	simm.s32 $0x1BFF;
	s21 =	sshll.u32 s5, $0x1;
	s2 =	sadd.s32 s19, s18  }
0x9c: {  	s6 =	simm.s32 $0x0;
	s20 =	sshll.u32 s4, $0x1;
	s4 =	sadd.s32 s21, s2  }
0x9d: {  	[timem:s6], [sflag:s22] =	dma.local [hbm:s4], s20  }
0x9e: {  	_ =	swait.ge [sflag:s22], s20  }
0x9f: {  	s3 =	ssub.s32 $0x0, s20;
	[sflag:s22] =	ssyncset.done $0x0  }
0xa0: {  	[sflag:s22] =	ssyncadd.s32 s3;
	_ =	sdelay $0x1  }
0xa1: {  	s23 =	simm.s32 $0x1B8B  }
0xa2: {  	_ =	swait.ge [sflag:s23], $0x1  }
0xa3: {  	[sflag:s23] =	ssyncset.done $0x0  }
0xa4: {  	s25 =	simm.s32 $0x1B8E;
	s24 =	sld [smem:$0x3FFE];
	[sflag:s23] =	ssyncadd.s32 $0xFFFFFFFF  }
0xa5: {  	s26 =	simm.s32 $execute0_lowered;
	[smem:$0x3FD2] =	sst s25  }
0xa6: {  	s4 =	sshll.u32 s26, $0x1;
	_ =	strace $0x8000004F;
	[dreg:$0x1] =	wrdreg $0xFFFFFFFF  }
0xa7: {  	s28 =	simm.s32 $_size_execute0_lowered;
	s2 =	sadd.s32 s2, s4;
	[dreg:$0x0] =	wrdreg $0x0  }
0xa8: {  	s4 =	sshll.u32 s28, $0x1;
	[dreg:$0x2] =	wrdreg s2  }
0xa9: {  	[dreg:$0x3] =	wrdreg s4  }
0xaa: {  	[dreg:$0x4] =	wrdreg $0xC0  }
0xab: {  	_ =	task [dreg:s6], $0x5FFFF  }
0xac: {  	[dreg:$0x1] =	wrdreg $0xFFFFFFFF  }
0xad: {  	[dreg:$0x0] =	wrdreg $0x60  }
0xae: {  	[dreg:$0x2] =	wrdreg s24  }
0xaf: {  	[dreg:$0x3] =	wrdreg $0x90000  }
0xb0: {  	[dreg:$0x4] =	wrdreg $0x9  }
0xb1: {  	_ =	task.clear_ibuf [dreg:s6], $0x5FFFF;
	_ =	strace $0x9000004F  }
0xb2: {  	s29 =	simm.s32 $0x9;
	_ =	strace $0x80000051  }
0xb3: {  	_ =	swait.ge [sflag:s29], $0x1  }
0xb4: {  	[sflag:s29] =	ssyncadd.s32 $0xFFFFFFFF  }
0xb5: {  	_ =	strace $0x90000051  }
0xb6: {  	_ =	sfence  }
0xb7: {  	s30 =	sld [smem:$0x0];
	_ =	sdelay $0x2  }
0xb8: {  	s31 =	sshll.u32 s1, $0xD;
	s1 =	sshrl.u32 s1, $0x2  }
0xb9: {  	s3 =	sand.u32 $0x4000, s31;
	s1 =	sadd.s32 s1, s30  }
0xba: {  	s0 =	sor.u32 s3, s0;
	s1 =	sshll.u32 s1, $0x11  }
0xbb: {  	s0 =	sor.u32 s1, s0  }
0xbc: {  	s0 =	sadd.s32 $0x8F2B, s0  }
0xbd: {  	[sflag:s0] =	ssyncadd.remote.s32 $0x1  }
0xbe: {  	_ =	sfence.sel $0xFFFF  }
0xbf: {  	[dreg:$0x0] =	wrdreg $0xFFFFFFFF;
	(pc) =	sbr.abs _section_cstart, $3  }
0xc0: {  	[dreg:$0x1] =	wrdreg $0xFFFFFFFF  }
0xc1: {  	_ =	task.clear_ibuf [dreg:s6], $0x2FFFF;
	_ =	strace $0x9FFFFFFF  }
0xc2: {  	(tm) =	ssettm $0x7FFFFFFF  }
0xc3: {  	_ =	shalt  }
tec
execute0_lowered:
.L_overlay_start_1:
0x0: {  	(tag) =	ssettag $0x1  }
0x1: {  	s1 =	srdreg.scid;
	s5 =	rddreg [dreg:$0x0]  }
0x2: {  	s0 =	stileid.u32;
	s2 =	rddreg [dreg:$0x1];
	s3 =	simm.s32 $0x0  }
0x3: {  	s14 =	simm.s32 $0x80;
	s15 =	simm.s32 $0x5000;
	s16 =	simm.s32 $0x1  }
0x4: {  	s17 =	simm.s32 $0x0;
	s6 =	sand.u32 $0x1, s1;
	s1 =	rddreg [dreg:$0x2]  }
0x5: {  	s30 =	sshll.u32 s0, $0x1;
	[smem:$0x7FF] =	sst s3;
	s8 =	smul.u32 $0x14000, s0  }
0x6: {  	s31 =	smul.u32 $0x50000, s0;
	s12 =	sshll.u32 s0, $0x6;
	s4 =	sor.u32 s6, s30  }
0x7: {  	_ =	strace $0x80000050;
	s9 =	smul.u32 $0x140000, s6;
	s6 =	ssub.s32 $0x2, s6  }
0x8: {  	s12 =	sor.u32 $0x1C02, s12;
	s7 =	smul.u32 $0x500, s4;
	s4 =	sadd.s32 $0x17800, s5  }
0x9: {  	s10 =	sshrl.u32 s8, $0x3;
	s11 =	sshrl.u32 s6, $0x1;
	s8 =	sadd.s32 s8, s9  }
0xa: {  	s10 =	sadd.s32 s10, s5;
	s11 =	ssub.s32 s6, s11;
	s9 =	sshrl.u32 s31, $0x2  }
0xb: {  	s7 =	sadd.s32 s7, s5;
	s8 =	sshrl.u32 s8, $0x3;
	s13 =	sadd.s32 s9, s2  }
0xc: {  	s9 =	smax.u32 s11, $0x1;
	s11 =	simm.s32 $0x2800;
	s8 =	sadd.s32 s8, s5  }
0xd: {  	s5 =	sadd.s32 $0x3800, s7;
	s6 =	sadd.s32 $0xD800, s7;
	s7 =	sadd.s32 $0x3F800, s10  }
0xe: {  	s10 =	simm.s32 $0x2;
	s13 =	sshrl.u32 s13, $0x3;
	s8 =	sadd.s32 $0x67800, s8  }
.LBB2_1:
0xf: {  	[tilespmem:s3], [sflag:$0x2] =	stream.linear.gather [hbm4b:s5+s3], $0x2780, $0x38;
	[tilespmem:$0x1D000] =	vst v63  }
0x10: {  	_ =	swait.ge [sflag:s10], $0x2780  }
0x11: {  	[sflag:s10] =	ssyncset.done $0x0  }
0x12: {  	[sflag:s10] =	ssyncadd.s32 $0xFFFFD880  }
0x13: {  	[tilespmem:s11], [sflag:$0x2] =	stream.linear.gather [hbm4b:s6+s3], $0x2780, $0x38;
	[tilespmem:$0x1D000] =	vst v63  }
0x14: {  	_ =	swait.ge [sflag:s10], $0x2780  }
0x15: {  	[sflag:s10] =	ssyncset.done $0x0  }
0x16: {  	[sflag:s10] =	ssyncadd.s32 $0xFFFFD880  }
0x17: {  	[spmem:s13], [sflag:s12] =	dma.local [hbm:s7], $0x2800  }
0x18: {  	_ =	swait.ge [sflag:s10], $0x2800  }
0x19: {  	[sflag:s10] =	ssyncset.done $0x0  }
0x1a: {  	[sflag:s10] =	ssyncadd.s32 $0xFFFFD800  }
0x1b: {  	s18 =	simm.s32 $0x0;
	[bflag:$0x0] =	sbarrier.arrive $0xFFFF  }
0x1c: {  	[tilespmem:s15], [sflag:$0x1] =	stream.indirect.gather [hbm4b:s4+s14], $0x80, s18, s14, $0xb8;
	[tilespmem:$0x1D000] =	vst v63  }
0x1d: {  	_ =	swait.ge [sflag:s16], $0x4000  }
0x1e: {  	[sflag:s16] =	ssyncset.done $0x0  }
0x1f: {  	s31 =	simm.s32 $0x2800;
	[sflag:s16] =	ssyncadd.s32 $0xFFFFC000  }
0x20: {  	[spmem:s2] =	stream.indirect.scatter.add.f32 [tilespmem:s15], [sflag:$0x2], $0x80, s31, s14, $0xb8;
	[tilespmem:$0x1D000] =	vst v63  }
0x21: {  	_ =	swait.ge [sflag:s10], $0x4000  }
0x22: {  	s19 =	simm.s32 $0x400;
	s18 =	simm.s32 $0x200;
	[sflag:s10] =	ssyncset.done $0x0  }
.LBB2_2:
0x23: {  	s20 =	sshra.s32 s18, $0x2  }
0x24: {  	[sflag:s10] =	ssyncadd.s32 $0xFFFFC000;
	s18 =	smov.u32 s19;
	s21 =	sadd.s32 $0x200, s19  }
0x25: {  	[tilespmem:s15], [sflag:$0x1] =	stream.indirect.gather [hbm4b:s4+s14], $0x80, s20, s14, $0xb8;
	[tilespmem:$0x1D000] =	vst v63  }
0x26: {  	p0 =	sne.s32 s19, $0x9C00;
	_ =	swait.ge [sflag:s16], $0x4000  }
.Ltmp0:
0x27: {  	[sflag:s16] =	ssyncset.done $0x0;
	(pc) =	sbr.rel @p0 .LBB2_2-.Ltmp0, $4  }
0x28: {  	s19 =	sadd.s32 $0x2800, s20;
	[sflag:s16] =	ssyncadd.s32 $0xFFFFC000  }
0x29: {  	[spmem:s2] =	stream.indirect.scatter.add.f32 [tilespmem:s15], [sflag:$0x2], $0x80, s19, s14, $0xb8;
	[tilespmem:$0x1D000] =	vst v63  }
0x2a: {  	_ =	swait.ge [sflag:s10], $0x4000  }
0x2b: {  	s19 =	smov.u32 s21;
	[sflag:s10] =	ssyncset.done $0x0  }
0x2c: {  	s18 =	sshra.s32 s18, $0x2;
	[sflag:s10] =	ssyncadd.s32 $0xFFFFC000  }
0x2d: {  	[tilespmem:s15], [sflag:$0x1] =	stream.indirect.gather [hbm4b:s4+s14], $0x80, s18, s14, $0xb8;
	[tilespmem:$0x1D000] =	vst v63  }
0x2e: {  	_ =	swait.ge [sflag:s16], $0x4000  }
0x2f: {  	[sflag:s16] =	ssyncset.done $0x0  }
0x30: {  	s18 =	sadd.s32 $0x2800, s18;
	[sflag:s16] =	ssyncadd.s32 $0xFFFFC000  }
0x31: {  	[spmem:s2] =	stream.indirect.scatter.add.f32 [tilespmem:s15], [sflag:$0x2], $0x80, s18, s14, $0xb8;
	[tilespmem:$0x1D000] =	vst v63  }
0x32: {  	_ =	swait.ge [sflag:s10], $0x4000  }
0x33: {  	s17 =	sadd.s32 $0x1, s17;
	[sflag:s10] =	ssyncset.done $0x0  }
0x34: {  	p0 =	sne.s32 s17, s9;
	[sflag:s10] =	ssyncadd.s32 $0xFFFFC000  }
.Ltmp1:
0x35: {  	[bflag:$0x0] =	sbarrier.arrive $0xFFFF;
	(pc) =	sbr.rel @p0 .LBB2_1-.Ltmp1, $4  }
0x36: {  	[hbm:s8], [sflag:s12] =	dma.local [spmem:s13], $0x2800  }
0x37: {  	_ =	swait.ge [sflag:s10], $0x2800  }
0x38: {  	[sflag:s10] =	ssyncset.done $0x0  }
0x39: {  	[sflag:s10] =	ssyncadd.s32 $0xFFFFD800  }
0x3a: {  	_ =	sfence.sel $0x180000  }
0x3b: {  	[bflag:$0x0] =	sbarrier.arrive $0xFFFF  }
0x3c: {  	p0 =	sne.s32 s0, $0x0;
	_ =	strace $0x90000050  }
0x3d: {  	s0 =	sadd.s32 @!p0 $0x100000, s1;
	[bflag:$0x2] =	sbarrier.arrive $0xFFFF  }
0x3e: {  	[sflag:s0] =	ssyncadd.tile.s32 @!p0 $0x1;
	_ =	shalt  }
.Lfunc_end2:
_tile_overlayer_lowered:
.L_overlay_start_2:
0x3f: {  	(tag) =	ssettag $0x2  }
0x40: {  	s0 =	rddreg [dreg:$0x0];
	s2 =	stileid.u32  }
0x41: {  	s1 =	rddreg [dreg:$0x1];
	p0 =	sne.s32 s2, $0x0  }
0x42: {  	s3 =	rddreg [dreg:$0x2];
	[bflag:$0x3] =	sbarrier.arrive $0xFFFF;
	s2 =	simm.s32 @!p0 $0x1C02  }
0x43: {  	[timem:s3], [sflag:s2] =	dma.local @!p0 [hbm:s0], s1  }
0x44: {  	s0 =	simm.s32 @!p0 $0x2  }
0x45: {  	_ =	swait.ge @!p0 [sflag:s0], s1  }
0x46: {  	s1 =	ssub.s32 @!p0 $0x0, s1;
	[sflag:s0] =	ssyncset.done @!p0 $0x0  }
0x47: {  	[sflag:s0] =	ssyncadd.s32 @!p0 s1  }
0x48: {  	[bflag:$0x3] =	sbarrier.arrive $0xFFFF  }
0x49: {  	_ =	shalt  }

</sc_bundles>
